<compile_context>
chip_gen: v7x
topology: tpu7x:2x2x1
jax: 0.10.2.dev20260603
libtpu: 0.0.44.dev20260713+nightly
codegen_flags: <defaults>
</compile_context>

<pallas_src>
import jax
import jax.numpy as jnp
from jax import lax
from jax.experimental import pallas as pl
from jax.experimental.pallas import tpu as pltpu
from jax.experimental.pallas import tpu_sc as plsc

VOCAB = 100000
HIDDEN = 32
NUM_CHANNELS = 26
BATCH = 4096
HIST = 20

NTOK = BATCH * HIST * NUM_CHANNELS
NC, NS = 2, 16
NW = NC * NS
PER_W = NTOK // NW
IW = 128
JROWS = 13
CHUNK = JROWS * IW
NCHUNK = PER_W // CHUNK


def _body(x_hbm, tab_hbm, offs_hbm, out_hbm,
          offs_v, idx0, idx1, rows0, rows1, sg0, sg1, so0, so1):
    wid = lax.axis_index("s") * NC + lax.axis_index("c")
    base_w = wid * PER_W
    idx = (idx0, idx1)
    rows = (rows0, rows1)
    sg = (sg0, sg1)
    so = (so0, so1)

    pltpu.sync_copy(offs_hbm, offs_v)

    def load_idx(c, b):
        base = pl.multiple_of(base_w + c * CHUNK, CHUNK)
        pltpu.sync_copy(x_hbm.at[pl.ds(base, CHUNK)], idx[b])

        def add_body(i, carry):
            sl = pl.ds(i * 16, 16)
            idx[b][sl] = idx[b][sl] + offs_v[sl]
            return carry

        lax.fori_loop(0, CHUNK // 16, add_body, 0)

    def fire_gathers(b):
        for j in range(JROWS):
            sl = pl.ds(j * IW, IW)
            pltpu.async_copy(tab_hbm.at[idx[b].at[sl]], rows[b].at[sl], sg[b])

    def wait_gathers(b):
        pltpu.make_async_copy(tab_hbm.at[pl.ds(0, CHUNK)], rows[b], sg[b]).wait()

    def fire_out(c, b):
        base = pl.multiple_of(base_w + c * CHUNK, CHUNK)
        pltpu.async_copy(rows[b], out_hbm.at[pl.ds(base, CHUNK)], so[b])

    def wait_out(c, b):
        base = pl.multiple_of(base_w + c * CHUNK, CHUNK)
        pltpu.make_async_copy(rows[b], out_hbm.at[pl.ds(base, CHUNK)], so[b]).wait()

    load_idx(0, 0)
    fire_gathers(0)
    load_idx(1, 1)

    wait_gathers(0)
    fire_gathers(1)
    fire_out(0, 0)
    load_idx(2, 0)

    def sub(g, b):
        wait_gathers(b)
        wait_out(g - 1, 1 - b)
        fire_gathers(1 - b)
        fire_out(g, b)
        load_idx(lax.rem(g + 2, NCHUNK), b)

    def pair(t, carry):
        g = 2 * t + 1
        sub(g, 1)
        sub(g + 1, 0)
        return carry

    lax.fori_loop(0, (NCHUNK - 2) // 2, pair, 0)

    wait_gathers(1)
    wait_out(NCHUNK - 2, 0)
    fire_out(NCHUNK - 1, 1)
    wait_out(NCHUNK - 1, 1)


@jax.jit
def kernel(x, W):
    xr = x.reshape(NTOK)
    table = W.reshape(NUM_CHANNELS * VOCAB, HIDDEN)
    offs = (jnp.arange(CHUNK, dtype=jnp.int32) % NUM_CHANNELS) * VOCAB
    run = pl.kernel(
        _body,
        out_type=jax.ShapeDtypeStruct((NTOK, HIDDEN), jnp.float32),
        mesh=plsc.VectorSubcoreMesh(core_axis_name="c", subcore_axis_name="s"),
        scratch_types=[
            pltpu.VMEM((CHUNK,), jnp.int32),
            pltpu.VMEM((CHUNK,), jnp.int32),
            pltpu.VMEM((CHUNK,), jnp.int32),
            pltpu.VMEM((CHUNK, HIDDEN), jnp.float32),
            pltpu.VMEM((CHUNK, HIDDEN), jnp.float32),
            pltpu.SemaphoreType.DMA,
            pltpu.SemaphoreType.DMA,
            pltpu.SemaphoreType.DMA,
            pltpu.SemaphoreType.DMA,
        ],
        compiler_params=pltpu.CompilerParams(use_tc_tiling_on_sc=False),
    )
    out = run(xr, table, offs)
    return out.reshape(BATCH, HIST * NUM_CHANNELS, HIDDEN)

# --- scband reference (transcript-rebuilt; emitter-appended) ---
"""Pipeline reference for scband-list-embedding-11166914969851 (READ-ONLY COPY).

The authoritative reference and input builder live on the scoring server;
editing this copy changes nothing except your own understanding.
"""

import jax, jax.numpy as jnp
import numpy as np

VOCAB = 100000
HIDDEN = 32
NUM_CHANNELS = 26
BATCH = 4096
HIST = 20


def setup_inputs(seed: int = 0) -> dict:
    key = jax.random.key(seed)
    k1, k2 = jax.random.split(key)
    x = jax.random.randint(k1, (BATCH, HIST * NUM_CHANNELS), 0, VOCAB, dtype=jnp.int32)
    # Stacked embedding weights: one table per channel, init normal(0, 0.02)
    W = jax.random.normal(k2, (NUM_CHANNELS, VOCAB, HIDDEN), dtype=jnp.float32) * 0.02
    return {"x": x, "W": W}


def reference(x, W):
    # Faithful translation of ListEmbedding.forward with chid=None
    num_channels = W.shape[0]
    hidden = W.shape[2]
    xr = x.reshape(x.shape[0], -1, num_channels)  # (B, L, C)
    channel_ids = jnp.arange(num_channels).reshape(1, 1, num_channels)  # (1, 1, C)
    # Advanced indexing: gather per-channel rows -> (B, L, C, H)
    embeds = W[channel_ids, xr, :]
    return embeds.reshape(x.shape[0], -1, hidden)  # (B, L*C, H)

if __name__ == "__main__":
    import jax
    _d = setup_inputs()
    print(jax.jit(kernel)(*tuple(_d.values())))

</pallas_src>

<mosaic_0001>
#map = affine_map<(d0, d1) -> (0)>
#map1 = affine_map<(d0, d1) -> (0, 0)>
module attributes {stable_mosaic.version = 14 : i64} {
  func.func @_body(%arg0: i32, %arg1: i32, %arg2: memref<2129920xi32, #tpu.memory_space<hbm>>, %arg3: memref<2600000x32xf32, #tpu.memory_space<hbm>>, %arg4: memref<1664xi32, #tpu.memory_space<hbm>>, %arg5: memref<2129920x32xf32, #tpu.memory_space<hbm>>, %arg6: memref<1664xi32, #tpu.memory_space<vmem>>, %arg7: memref<1664xi32, #tpu.memory_space<vmem>>, %arg8: memref<1664xi32, #tpu.memory_space<vmem>>, %arg9: memref<1664x32xf32, #tpu.memory_space<vmem>>, %arg10: memref<1664x32xf32, #tpu.memory_space<vmem>>, %arg11: memref<!tpu.dma_semaphore, #tpu.memory_space<semaphore_mem>>, %arg12: memref<!tpu.dma_semaphore, #tpu.memory_space<semaphore_mem>>, %arg13: memref<!tpu.dma_semaphore, #tpu.memory_space<semaphore_mem>>, %arg14: memref<!tpu.dma_semaphore, #tpu.memory_space<semaphore_mem>>) attributes {dimension_semantics = [#tpu.dimension_semantics<core_parallel>, #tpu.dimension_semantics<subcore_parallel>], iteration_bounds = array<i64: 2, 16>, scalar_prefetch = 0 : i64, scratch_operands = 9 : i64, tpu.core_type = #tpu.core_type<sc_vector_subcore>, window_params = [{transform_indices = #map}, {transform_indices = #map1}, {transform_indices = #map}, {transform_indices = #map1}]} {
    %mul3A = arith.constant 2 : i32
    %mul3A_0 = arith.muli %arg1, %mul3A : i32
    %add3A = arith.addi %mul3A_0, %arg0 : i32
    %mul3A_1 = arith.constant 66560 : i32
    %mul3A_2 = arith.muli %add3A, %mul3A_1 : i32
    "tpu.region"() ({
      %run_scoped3A = tpu.sem_alloc : memref<!tpu.dma_semaphore, #tpu.memory_space<semaphore_mem>>
      tpu.enqueue_dma source(%arg4 : memref<1664xi32, #tpu.memory_space<hbm>>) target(%arg6 : memref<1664xi32, #tpu.memory_space<vmem>>) target_semaphore(%run_scoped3A : memref<!tpu.dma_semaphore, #tpu.memory_space<semaphore_mem>>)
      tpu.wait_dma2 semaphore(%run_scoped3A : memref<!tpu.dma_semaphore, #tpu.memory_space<semaphore_mem>>) src(%arg4 : memref<1664xi32, #tpu.memory_space<hbm>>) dst(%arg6 : memref<1664xi32, #tpu.memory_space<vmem>>)
      tpu.yield
    }) : () -> ()
    %add3A_3 = arith.constant 0 : i32
    %add3A_4 = arith.addi %mul3A_2, %add3A_3 : i32
    %multiple_of3A = tpu.assume_multiple %add3A_4, 1664 : i32
    "tpu.region"() ({
      %run_scoped3A = tpu.sem_alloc : memref<!tpu.dma_semaphore, #tpu.memory_space<semaphore_mem>>
      %dma_start3A_280 = tpu.memref_slice %arg2[%multiple_of3A] : memref<2129920xi32, #tpu.memory_space<hbm>> -> memref<1664xi32, #tpu.memory_space<hbm>>
      %dma_start3A_281 = tpu.memref_slice %arg2[%multiple_of3A] : memref<2129920xi32, #tpu.memory_space<hbm>> -> memref<1664xi32, #tpu.memory_space<hbm>>
      tpu.enqueue_dma source(%dma_start3A_281 : memref<1664xi32, #tpu.memory_space<hbm>>) target(%arg7 : memref<1664xi32, #tpu.memory_space<vmem>>) target_semaphore(%run_scoped3A : memref<!tpu.dma_semaphore, #tpu.memory_space<semaphore_mem>>)
      %dma_wait3A_282 = tpu.memref_slice %arg2[%multiple_of3A] : memref<2129920xi32, #tpu.memory_space<hbm>> -> memref<1664xi32, #tpu.memory_space<hbm>>
      %dma_wait3A_283 = tpu.memref_slice %arg2[%multiple_of3A] : memref<2129920xi32, #tpu.memory_space<hbm>> -> memref<1664xi32, #tpu.memory_space<hbm>>
      tpu.wait_dma2 semaphore(%run_scoped3A : memref<!tpu.dma_semaphore, #tpu.memory_space<semaphore_mem>>) src(%dma_wait3A_283 : memref<1664xi32, #tpu.memory_space<hbm>>) dst(%arg7 : memref<1664xi32, #tpu.memory_space<vmem>>)
      tpu.yield
    }) : () -> ()
    %scan3A = arith.constant 0 : i32
    %scan3A_5 = arith.constant 0 : i32
    %scan3A_6 = arith.constant 104 : i32
    %scan3A_7 = arith.addi %scan3A_5, %scan3A_6 : i32
    %scan3A_8 = arith.constant 1 : i32
    scf.for %scan3A_280 = %scan3A_5 to %scan3A_7 step %scan3A_8  : i32 {
      %mul3A_281 = arith.constant 16 : i32
      %mul3A_282 = arith.muli %scan3A_280, %mul3A_281 : i32
      %get3A = arith.index_cast %mul3A_282 : i32 to index
      %get3A_283 = tpu.vector_load %arg7[%get3A] {strides = array<i32>} : memref<1664xi32, #tpu.memory_space<vmem>>, vector<16xi32>,
      %get3A_284 = vector.shape_cast %get3A_283 : vector<16xi32> to vector<16xi32>
      %get3A_285 = arith.index_cast %mul3A_282 : i32 to index
      %get3A_286 = tpu.vector_load %arg6[%get3A_285] {strides = array<i32>} : memref<1664xi32, #tpu.memory_space<vmem>>, vector<16xi32>,
      %get3A_287 = vector.shape_cast %get3A_286 : vector<16xi32> to vector<16xi32>
      %add3A_288 = arith.addi %get3A_284, %get3A_287 : vector<16xi32>
      %swap3A = arith.index_cast %mul3A_282 : i32 to index
      %swap3A_289 = tpu.vector_load %arg7[%swap3A] {strides = array<i32>} : memref<1664xi32, #tpu.memory_space<vmem>>, vector<16xi32>,
      %swap3A_290 = vector.shape_cast %swap3A_289 : vector<16xi32> to vector<16xi32>
      %swap3A_291 = vector.shape_cast %add3A_288 : vector<16xi32> to vector<16xi32>
      tpu.vector_store %arg7[%swap3A], %swap3A_291 {strides = array<i32>} : memref<1664xi32, #tpu.memory_space<vmem>>, vector<16xi32>,
    }
    %scan3A_9 = arith.constant 104 : i32
    %dma_start3A = arith.constant 0 : i32
    %dma_start3A_10 = arith.constant 0 : i32
    %dma_start3A_11 = tpu.memref_slice %arg9[%dma_start3A, %dma_start3A_10] : memref<1664x32xf32, #tpu.memory_space<vmem>> -> memref<128x32xf32, #tpu.memory_space<vmem>>
    %dma_start3A_12 = arith.constant 0 : i32
    %dma_start3A_13 = tpu.memref_slice %arg7[%dma_start3A_12] : memref<1664xi32, #tpu.memory_space<vmem>> -> memref<128xi32, #tpu.memory_space<vmem>>
    %dma_start3A_14 = arith.constant 0 : i32
    %dma_start3A_15 = arith.constant 0 : i32
    %dma_start3A_16 = tpu.memref_slice %arg3[%dma_start3A_14, %dma_start3A_15] : memref<2600000x32xf32, #tpu.memory_space<hbm>> -> memref<2600000x32xf32, #tpu.memory_space<hbm>>
    tpu.enqueue_indirect_dma source(%dma_start3A_16 : memref<2600000x32xf32, #tpu.memory_space<hbm>>) target(%dma_start3A_11 : memref<128x32xf32, #tpu.memory_space<vmem>>) offsets(%dma_start3A_13 : memref<128xi32, #tpu.memory_space<vmem>>) semaphore(%arg11 : memref<!tpu.dma_semaphore, #tpu.memory_space<semaphore_mem>>)
    %dma_start3A_17 = arith.constant 128 : i32
    %dma_start3A_18 = arith.constant 0 : i32
    %dma_start3A_19 = tpu.memref_slice %arg9[%dma_start3A_17, %dma_start3A_18] : memref<1664x32xf32, #tpu.memory_space<vmem>> -> memref<128x32xf32, #tpu.memory_space<vmem>>
    %dma_start3A_20 = arith.constant 128 : i32
    %dma_start3A_21 = tpu.memref_slice %arg7[%dma_start3A_20] : memref<1664xi32, #tpu.memory_space<vmem>> -> memref<128xi32, #tpu.memory_space<vmem>>
    %dma_start3A_22 = arith.constant 0 : i32
    %dma_start3A_23 = arith.constant 0 : i32
    %dma_start3A_24 = tpu.memref_slice %arg3[%dma_start3A_22, %dma_start3A_23] : memref<2600000x32xf32, #tpu.memory_space<hbm>> -> memref<2600000x32xf32, #tpu.memory_space<hbm>>
    tpu.enqueue_indirect_dma source(%dma_start3A_24 : memref<2600000x32xf32, #tpu.memory_space<hbm>>) target(%dma_start3A_19 : memref<128x32xf32, #tpu.memory_space<vmem>>) offsets(%dma_start3A_21 : memref<128xi32, #tpu.memory_space<vmem>>) semaphore(%arg11 : memref<!tpu.dma_semaphore, #tpu.memory_space<semaphore_mem>>)
    %dma_start3A_25 = arith.constant 256 : i32
    %dma_start3A_26 = arith.constant 0 : i32
    %dma_start3A_27 = tpu.memref_slice %arg9[%dma_start3A_25, %dma_start3A_26] : memref<1664x32xf32, #tpu.memory_space<vmem>> -> memref<128x32xf32, #tpu.memory_space<vmem>>
    %dma_start3A_28 = arith.constant 256 : i32
    %dma_start3A_29 = tpu.memref_slice %arg7[%dma_start3A_28] : memref<1664xi32, #tpu.memory_space<vmem>> -> memref<128xi32, #tpu.memory_space<vmem>>
    %dma_start3A_30 = arith.constant 0 : i32
    %dma_start3A_31 = arith.constant 0 : i32
    %dma_start3A_32 = tpu.memref_slice %arg3[%dma_start3A_30, %dma_start3A_31] : memref<2600000x32xf32, #tpu.memory_space<hbm>> -> memref<2600000x32xf32, #tpu.memory_space<hbm>>
    tpu.enqueue_indirect_dma source(%dma_start3A_32 : memref<2600000x32xf32, #tpu.memory_space<hbm>>) target(%dma_start3A_27 : memref<128x32xf32, #tpu.memory_space<vmem>>) offsets(%dma_start3A_29 : memref<128xi32, #tpu.memory_space<vmem>>) semaphore(%arg11 : memref<!tpu.dma_semaphore, #tpu.memory_space<semaphore_mem>>)
    %dma_start3A_33 = arith.constant 384 : i32
    %dma_start3A_34 = arith.constant 0 : i32
    %dma_start3A_35 = tpu.memref_slice %arg9[%dma_start3A_33, %dma_start3A_34] : memref<1664x32xf32, #tpu.memory_space<vmem>> -> memref<128x32xf32, #tpu.memory_space<vmem>>
    %dma_start3A_36 = arith.constant 384 : i32
    %dma_start3A_37 = tpu.memref_slice %arg7[%dma_start3A_36] : memref<1664xi32, #tpu.memory_space<vmem>> -> memref<128xi32, #tpu.memory_space<vmem>>
    %dma_start3A_38 = arith.constant 0 : i32
    %dma_start3A_39 = arith.constant 0 : i32
    %dma_start3A_40 = tpu.memref_slice %arg3[%dma_start3A_38, %dma_start3A_39] : memref<2600000x32xf32, #tpu.memory_space<hbm>> -> memref<2600000x32xf32, #tpu.memory_space<hbm>>
    tpu.enqueue_indirect_dma source(%dma_start3A_40 : memref<2600000x32xf32, #tpu.memory_space<hbm>>) target(%dma_start3A_35 : memref<128x32xf32, #tpu.memory_space<vmem>>) offsets(%dma_start3A_37 : memref<128xi32, #tpu.memory_space<vmem>>) semaphore(%arg11 : memref<!tpu.dma_semaphore, #tpu.memory_space<semaphore_mem>>)
    %dma_start3A_41 = arith.constant 512 : i32
    %dma_start3A_42 = arith.constant 0 : i32
    %dma_start3A_43 = tpu.memref_slice %arg9[%dma_start3A_41, %dma_start3A_42] : memref<1664x32xf32, #tpu.memory_space<vmem>> -> memref<128x32xf32, #tpu.memory_space<vmem>>
    %dma_start3A_44 = arith.constant 512 : i32
    %dma_start3A_45 = tpu.memref_slice %arg7[%dma_start3A_44] : memref<1664xi32, #tpu.memory_space<vmem>> -> memref<128xi32, #tpu.memory_space<vmem>>
    %dma_start3A_46 = arith.constant 0 : i32
    %dma_start3A_47 = arith.constant 0 : i32
    %dma_start3A_48 = tpu.memref_slice %arg3[%dma_start3A_46, %dma_start3A_47] : memref<2600000x32xf32, #tpu.memory_space<hbm>> -> memref<2600000x32xf32, #tpu.memory_space<hbm>>
    tpu.enqueue_indirect_dma source(%dma_start3A_48 : memref<2600000x32xf32, #tpu.memory_space<hbm>>) target(%dma_start3A_43 : memref<128x32xf32, #tpu.memory_space<vmem>>) offsets(%dma_start3A_45 : memref<128xi32, #tpu.memory_space<vmem>>) semaphore(%arg11 : memref<!tpu.dma_semaphore, #tpu.memory_space<semaphore_mem>>)
    %dma_start3A_49 = arith.constant 640 : i32
    %dma_start3A_50 = arith.constant 0 : i32
    %dma_start3A_51 = tpu.memref_slice %arg9[%dma_start3A_49, %dma_start3A_50] : memref<1664x32xf32, #tpu.memory_space<vmem>> -> memref<128x32xf32, #tpu.memory_space<vmem>>
    %dma_start3A_52 = arith.constant 640 : i32
    %dma_start3A_53 = tpu.memref_slice %arg7[%dma_start3A_52] : memref<1664xi32, #tpu.memory_space<vmem>> -> memref<128xi32, #tpu.memory_space<vmem>>
    %dma_start3A_54 = arith.constant 0 : i32
    %dma_start3A_55 = arith.constant 0 : i32
    %dma_start3A_56 = tpu.memref_slice %arg3[%dma_start3A_54, %dma_start3A_55] : memref<2600000x32xf32, #tpu.memory_space<hbm>> -> memref<2600000x32xf32, #tpu.memory_space<hbm>>
    tpu.enqueue_indirect_dma source(%dma_start3A_56 : memref<2600000x32xf32, #tpu.memory_space<hbm>>) target(%dma_start3A_51 : memref<128x32xf32, #tpu.memory_space<vmem>>) offsets(%dma_start3A_53 : memref<128xi32, #tpu.memory_space<vmem>>) semaphore(%arg11 : memref<!tpu.dma_semaphore, #tpu.memory_space<semaphore_mem>>)
    %dma_start3A_57 = arith.constant 768 : i32
    %dma_start3A_58 = arith.constant 0 : i32
    %dma_start3A_59 = tpu.memref_slice %arg9[%dma_start3A_57, %dma_start3A_58] : memref<1664x32xf32, #tpu.memory_space<vmem>> -> memref<128x32xf32, #tpu.memory_space<vmem>>
    %dma_start3A_60 = arith.constant 768 : i32
    %dma_start3A_61 = tpu.memref_slice %arg7[%dma_start3A_60] : memref<1664xi32, #tpu.memory_space<vmem>> -> memref<128xi32, #tpu.memory_space<vmem>>
    %dma_start3A_62 = arith.constant 0 : i32
    %dma_start3A_63 = arith.constant 0 : i32
    %dma_start3A_64 = tpu.memref_slice %arg3[%dma_start3A_62, %dma_start3A_63] : memref<2600000x32xf32, #tpu.memory_space<hbm>> -> memref<2600000x32xf32, #tpu.memory_space<hbm>>
    tpu.enqueue_indirect_dma source(%dma_start3A_64 : memref<2600000x32xf32, #tpu.memory_space<hbm>>) target(%dma_start3A_59 : memref<128x32xf32, #tpu.memory_space<vmem>>) offsets(%dma_start3A_61 : memref<128xi32, #tpu.memory_space<vmem>>) semaphore(%arg11 : memref<!tpu.dma_semaphore, #tpu.memory_space<semaphore_mem>>)
    %dma_start3A_65 = arith.constant 896 : i32
    %dma_start3A_66 = arith.constant 0 : i32
    %dma_start3A_67 = tpu.memref_slice %arg9[%dma_start3A_65, %dma_start3A_66] : memref<1664x32xf32, #tpu.memory_space<vmem>> -> memref<128x32xf32, #tpu.memory_space<vmem>>
    %dma_start3A_68 = arith.constant 896 : i32
    %dma_start3A_69 = tpu.memref_slice %arg7[%dma_start3A_68] : memref<1664xi32, #tpu.memory_space<vmem>> -> memref<128xi32, #tpu.memory_space<vmem>>
    %dma_start3A_70 = arith.constant 0 : i32
    %dma_start3A_71 = arith.constant 0 : i32
    %dma_start3A_72 = tpu.memref_slice %arg3[%dma_start3A_70, %dma_start3A_71] : memref<2600000x32xf32, #tpu.memory_space<hbm>> -> memref<2600000x32xf32, #tpu.memory_space<hbm>>
    tpu.enqueue_indirect_dma source(%dma_start3A_72 : memref<2600000x32xf32, #tpu.memory_space<hbm>>) target(%dma_start3A_67 : memref<128x32xf32, #tpu.memory_space<vmem>>) offsets(%dma_start3A_69 : memref<128xi32, #tpu.memory_space<vmem>>) semaphore(%arg11 : memref<!tpu.dma_semaphore, #tpu.memory_space<semaphore_mem>>)
    %dma_start3A_73 = arith.constant 1024 : i32
    %dma_start3A_74 = arith.constant 0 : i32
    %dma_start3A_75 = tpu.memref_slice %arg9[%dma_start3A_73, %dma_start3A_74] : memref<1664x32xf32, #tpu.memory_space<vmem>> -> memref<128x32xf32, #tpu.memory_space<vmem>>
    %dma_start3A_76 = arith.constant 1024 : i32
    %dma_start3A_77 = tpu.memref_slice %arg7[%dma_start3A_76] : memref<1664xi32, #tpu.memory_space<vmem>> -> memref<128xi32, #tpu.memory_space<vmem>>
    %dma_start3A_78 = arith.constant 0 : i32
    %dma_start3A_79 = arith.constant 0 : i32
    %dma_start3A_80 = tpu.memref_slice %arg3[%dma_start3A_78, %dma_start3A_79] : memref<2600000x32xf32, #tpu.memory_space<hbm>> -> memref<2600000x32xf32, #tpu.memory_space<hbm>>
    tpu.enqueue_indirect_dma source(%dma_start3A_80 : memref<2600000x32xf32, #tpu.memory_space<hbm>>) target(%dma_start3A_75 : memref<128x32xf32, #tpu.memory_space<vmem>>) offsets(%dma_start3A_77 : memref<128xi32, #tpu.memory_space<vmem>>) semaphore(%arg11 : memref<!tpu.dma_semaphore, #tpu.memory_space<semaphore_mem>>)
    %dma_start3A_81 = arith.constant 1152 : i32
    %dma_start3A_82 = arith.constant 0 : i32
    %dma_start3A_83 = tpu.memref_slice %arg9[%dma_start3A_81, %dma_start3A_82] : memref<1664x32xf32, #tpu.memory_space<vmem>> -> memref<128x32xf32, #tpu.memory_space<vmem>>
    %dma_start3A_84 = arith.constant 1152 : i32
    %dma_start3A_85 = tpu.memref_slice %arg7[%dma_start3A_84] : memref<1664xi32, #tpu.memory_space<vmem>> -> memref<128xi32, #tpu.memory_space<vmem>>
    %dma_start3A_86 = arith.constant 0 : i32
    %dma_start3A_87 = arith.constant 0 : i32
    %dma_start3A_88 = tpu.memref_slice %arg3[%dma_start3A_86, %dma_start3A_87] : memref<2600000x32xf32, #tpu.memory_space<hbm>> -> memref<2600000x32xf32, #tpu.memory_space<hbm>>
    tpu.enqueue_indirect_dma source(%dma_start3A_88 : memref<2600000x32xf32, #tpu.memory_space<hbm>>) target(%dma_start3A_83 : memref<128x32xf32, #tpu.memory_space<vmem>>) offsets(%dma_start3A_85 : memref<128xi32, #tpu.memory_space<vmem>>) semaphore(%arg11 : memref<!tpu.dma_semaphore, #tpu.memory_space<semaphore_mem>>)
    %dma_start3A_89 = arith.constant 1280 : i32
    %dma_start3A_90 = arith.constant 0 : i32
    %dma_start3A_91 = tpu.memref_slice %arg9[%dma_start3A_89, %dma_start3A_90] : memref<1664x32xf32, #tpu.memory_space<vmem>> -> memref<128x32xf32, #tpu.memory_space<vmem>>
    %dma_start3A_92 = arith.constant 1280 : i32
    %dma_start3A_93 = tpu.memref_slice %arg7[%dma_start3A_92] : memref<1664xi32, #tpu.memory_space<vmem>> -> memref<128xi32, #tpu.memory_space<vmem>>
    %dma_start3A_94 = arith.constant 0 : i32
    %dma_start3A_95 = arith.constant 0 : i32
    %dma_start3A_96 = tpu.memref_slice %arg3[%dma_start3A_94, %dma_start3A_95] : memref<2600000x32xf32, #tpu.memory_space<hbm>> -> memref<2600000x32xf32, #tpu.memory_space<hbm>>
    tpu.enqueue_indirect_dma source(%dma_start3A_96 : memref<2600000x32xf32, #tpu.memory_space<hbm>>) target(%dma_start3A_91 : memref<128x32xf32, #tpu.memory_space<vmem>>) offsets(%dma_start3A_93 : memref<128xi32, #tpu.memory_space<vmem>>) semaphore(%arg11 : memref<!tpu.dma_semaphore, #tpu.memory_space<semaphore_mem>>)
    %dma_start3A_97 = arith.constant 1408 : i32
    %dma_start3A_98 = arith.constant 0 : i32
    %dma_start3A_99 = tpu.memref_slice %arg9[%dma_start3A_97, %dma_start3A_98] : memref<1664x32xf32, #tpu.memory_space<vmem>> -> memref<128x32xf32, #tpu.memory_space<vmem>>
    %dma_start3A_100 = arith.constant 1408 : i32
    %dma_start3A_101 = tpu.memref_slice %arg7[%dma_start3A_100] : memref<1664xi32, #tpu.memory_space<vmem>> -> memref<128xi32, #tpu.memory_space<vmem>>
    %dma_start3A_102 = arith.constant 0 : i32
    %dma_start3A_103 = arith.constant 0 : i32
    %dma_start3A_104 = tpu.memref_slice %arg3[%dma_start3A_102, %dma_start3A_103] : memref<2600000x32xf32, #tpu.memory_space<hbm>> -> memref<2600000x32xf32, #tpu.memory_space<hbm>>
    tpu.enqueue_indirect_dma source(%dma_start3A_104 : memref<2600000x32xf32, #tpu.memory_space<hbm>>) target(%dma_start3A_99 : memref<128x32xf32, #tpu.memory_space<vmem>>) offsets(%dma_start3A_101 : memref<128xi32, #tpu.memory_space<vmem>>) semaphore(%arg11 : memref<!tpu.dma_semaphore, #tpu.memory_space<semaphore_mem>>)
    %dma_start3A_105 = arith.constant 1536 : i32
    %dma_start3A_106 = arith.constant 0 : i32
    %dma_start3A_107 = tpu.memref_slice %arg9[%dma_start3A_105, %dma_start3A_106] : memref<1664x32xf32, #tpu.memory_space<vmem>> -> memref<128x32xf32, #tpu.memory_space<vmem>>
    %dma_start3A_108 = arith.constant 1536 : i32
    %dma_start3A_109 = tpu.memref_slice %arg7[%dma_start3A_108] : memref<1664xi32, #tpu.memory_space<vmem>> -> memref<128xi32, #tpu.memory_space<vmem>>
    %dma_start3A_110 = arith.constant 0 : i32
    %dma_start3A_111 = arith.constant 0 : i32
    %dma_start3A_112 = tpu.memref_slice %arg3[%dma_start3A_110, %dma_start3A_111] : memref<2600000x32xf32, #tpu.memory_space<hbm>> -> memref<2600000x32xf32, #tpu.memory_space<hbm>>
    tpu.enqueue_indirect_dma source(%dma_start3A_112 : memref<2600000x32xf32, #tpu.memory_space<hbm>>) target(%dma_start3A_107 : memref<128x32xf32, #tpu.memory_space<vmem>>) offsets(%dma_start3A_109 : memref<128xi32, #tpu.memory_space<vmem>>) semaphore(%arg11 : memref<!tpu.dma_semaphore, #tpu.memory_space<semaphore_mem>>)
    %add3A_113 = arith.constant 1664 : i32
    %add3A_114 = arith.addi %mul3A_2, %add3A_113 : i32
    %multiple_of3A_115 = tpu.assume_multiple %add3A_114, 1664 : i32
    "tpu.region"() ({
      %run_scoped3A = tpu.sem_alloc : memref<!tpu.dma_semaphore, #tpu.memory_space<semaphore_mem>>
      %dma_start3A_280 = tpu.memref_slice %arg2[%multiple_of3A_115] : memref<2129920xi32, #tpu.memory_space<hbm>> -> memref<1664xi32, #tpu.memory_space<hbm>>
      %dma_start3A_281 = tpu.memref_slice %arg2[%multiple_of3A_115] : memref<2129920xi32, #tpu.memory_space<hbm>> -> memref<1664xi32, #tpu.memory_space<hbm>>
      tpu.enqueue_dma source(%dma_start3A_281 : memref<1664xi32, #tpu.memory_space<hbm>>) target(%arg8 : memref<1664xi32, #tpu.memory_space<vmem>>) target_semaphore(%run_scoped3A : memref<!tpu.dma_semaphore, #tpu.memory_space<semaphore_mem>>)
      %dma_wait3A_282 = tpu.memref_slice %arg2[%multiple_of3A_115] : memref<2129920xi32, #tpu.memory_space<hbm>> -> memref<1664xi32, #tpu.memory_space<hbm>>
      %dma_wait3A_283 = tpu.memref_slice %arg2[%multiple_of3A_115] : memref<2129920xi32, #tpu.memory_space<hbm>> -> memref<1664xi32, #tpu.memory_space<hbm>>
      tpu.wait_dma2 semaphore(%run_scoped3A : memref<!tpu.dma_semaphore, #tpu.memory_space<semaphore_mem>>) src(%dma_wait3A_283 : memref<1664xi32, #tpu.memory_space<hbm>>) dst(%arg8 : memref<1664xi32, #tpu.memory_space<vmem>>)
      tpu.yield
    }) : () -> ()
    %scan3A_116 = arith.constant 0 : i32
    %scan3A_117 = arith.constant 0 : i32
    %scan3A_118 = arith.constant 104 : i32
    %scan3A_119 = arith.addi %scan3A_117, %scan3A_118 : i32
    %scan3A_120 = arith.constant 1 : i32
    scf.for %scan3A_280 = %scan3A_117 to %scan3A_119 step %scan3A_120  : i32 {
      %mul3A_281 = arith.constant 16 : i32
      %mul3A_282 = arith.muli %scan3A_280, %mul3A_281 : i32
      %get3A = arith.index_cast %mul3A_282 : i32 to index
      %get3A_283 = tpu.vector_load %arg8[%get3A] {strides = array<i32>} : memref<1664xi32, #tpu.memory_space<vmem>>, vector<16xi32>,
      %get3A_284 = vector.shape_cast %get3A_283 : vector<16xi32> to vector<16xi32>
      %get3A_285 = arith.index_cast %mul3A_282 : i32 to index
      %get3A_286 = tpu.vector_load %arg6[%get3A_285] {strides = array<i32>} : memref<1664xi32, #tpu.memory_space<vmem>>, vector<16xi32>,
      %get3A_287 = vector.shape_cast %get3A_286 : vector<16xi32> to vector<16xi32>
      %add3A_288 = arith.addi %get3A_284, %get3A_287 : vector<16xi32>
      %swap3A = arith.index_cast %mul3A_282 : i32 to index
      %swap3A_289 = tpu.vector_load %arg8[%swap3A] {strides = array<i32>} : memref<1664xi32, #tpu.memory_space<vmem>>, vector<16xi32>,
      %swap3A_290 = vector.shape_cast %swap3A_289 : vector<16xi32> to vector<16xi32>
      %swap3A_291 = vector.shape_cast %add3A_288 : vector<16xi32> to vector<16xi32>
      tpu.vector_store %arg8[%swap3A], %swap3A_291 {strides = array<i32>} : memref<1664xi32, #tpu.memory_space<vmem>>, vector<16xi32>,
    }
    %scan3A_121 = arith.constant 104 : i32
    %dma_wait3A = arith.constant 0 : i32
    %dma_wait3A_122 = arith.constant 0 : i32
    %dma_wait3A_123 = tpu.memref_slice %arg3[%dma_wait3A, %dma_wait3A_122] : memref<2600000x32xf32, #tpu.memory_space<hbm>> -> memref<1664x32xf32, #tpu.memory_space<hbm>>
    %dma_wait3A_124 = arith.constant 0 : i32
    %dma_wait3A_125 = arith.constant 0 : i32
    %dma_wait3A_126 = tpu.memref_slice %arg3[%dma_wait3A_124, %dma_wait3A_125] : memref<2600000x32xf32, #tpu.memory_space<hbm>> -> memref<1664x32xf32, #tpu.memory_space<hbm>>
    tpu.wait_dma2 semaphore(%arg11 : memref<!tpu.dma_semaphore, #tpu.memory_space<semaphore_mem>>) src(%dma_wait3A_126 : memref<1664x32xf32, #tpu.memory_space<hbm>>) dst(%arg9 : memref<1664x32xf32, #tpu.memory_space<vmem>>)
    %dma_start3A_127 = arith.constant 0 : i32
    %dma_start3A_128 = arith.constant 0 : i32
    %dma_start3A_129 = tpu.memref_slice %arg10[%dma_start3A_127, %dma_start3A_128] : memref<1664x32xf32, #tpu.memory_space<vmem>> -> memref<128x32xf32, #tpu.memory_space<vmem>>
    %dma_start3A_130 = arith.constant 0 : i32
    %dma_start3A_131 = tpu.memref_slice %arg8[%dma_start3A_130] : memref<1664xi32, #tpu.memory_space<vmem>> -> memref<128xi32, #tpu.memory_space<vmem>>
    %dma_start3A_132 = arith.constant 0 : i32
    %dma_start3A_133 = arith.constant 0 : i32
    %dma_start3A_134 = tpu.memref_slice %arg3[%dma_start3A_132, %dma_start3A_133] : memref<2600000x32xf32, #tpu.memory_space<hbm>> -> memref<2600000x32xf32, #tpu.memory_space<hbm>>
    tpu.enqueue_indirect_dma source(%dma_start3A_134 : memref<2600000x32xf32, #tpu.memory_space<hbm>>) target(%dma_start3A_129 : memref<128x32xf32, #tpu.memory_space<vmem>>) offsets(%dma_start3A_131 : memref<128xi32, #tpu.memory_space<vmem>>) semaphore(%arg12 : memref<!tpu.dma_semaphore, #tpu.memory_space<semaphore_mem>>)
    %dma_start3A_135 = arith.constant 128 : i32
    %dma_start3A_136 = arith.constant 0 : i32
    %dma_start3A_137 = tpu.memref_slice %arg10[%dma_start3A_135, %dma_start3A_136] : memref<1664x32xf32, #tpu.memory_space<vmem>> -> memref<128x32xf32, #tpu.memory_space<vmem>>
    %dma_start3A_138 = arith.constant 128 : i32
    %dma_start3A_139 = tpu.memref_slice %arg8[%dma_start3A_138] : memref<1664xi32, #tpu.memory_space<vmem>> -> memref<128xi32, #tpu.memory_space<vmem>>
    %dma_start3A_140 = arith.constant 0 : i32
    %dma_start3A_141 = arith.constant 0 : i32
    %dma_start3A_142 = tpu.memref_slice %arg3[%dma_start3A_140, %dma_start3A_141] : memref<2600000x32xf32, #tpu.memory_space<hbm>> -> memref<2600000x32xf32, #tpu.memory_space<hbm>>
    tpu.enqueue_indirect_dma source(%dma_start3A_142 : memref<2600000x32xf32, #tpu.memory_space<hbm>>) target(%dma_start3A_137 : memref<128x32xf32, #tpu.memory_space<vmem>>) offsets(%dma_start3A_139 : memref<128xi32, #tpu.memory_space<vmem>>) semaphore(%arg12 : memref<!tpu.dma_semaphore, #tpu.memory_space<semaphore_mem>>)
    %dma_start3A_143 = arith.constant 256 : i32
    %dma_start3A_144 = arith.constant 0 : i32
    %dma_start3A_145 = tpu.memref_slice %arg10[%dma_start3A_143, %dma_start3A_144] : memref<1664x32xf32, #tpu.memory_space<vmem>> -> memref<128x32xf32, #tpu.memory_space<vmem>>
    %dma_start3A_146 = arith.constant 256 : i32
    %dma_start3A_147 = tpu.memref_slice %arg8[%dma_start3A_146] : memref<1664xi32, #tpu.memory_space<vmem>> -> memref<128xi32, #tpu.memory_space<vmem>>
    %dma_start3A_148 = arith.constant 0 : i32
    %dma_start3A_149 = arith.constant 0 : i32
    %dma_start3A_150 = tpu.memref_slice %arg3[%dma_start3A_148, %dma_start3A_149] : memref<2600000x32xf32, #tpu.memory_space<hbm>> -> memref<2600000x32xf32, #tpu.memory_space<hbm>>
    tpu.enqueue_indirect_dma source(%dma_start3A_150 : memref<2600000x32xf32, #tpu.memory_space<hbm>>) target(%dma_start3A_145 : memref<128x32xf32, #tpu.memory_space<vmem>>) offsets(%dma_start3A_147 : memref<128xi32, #tpu.memory_space<vmem>>) semaphore(%arg12 : memref<!tpu.dma_semaphore, #tpu.memory_space<semaphore_mem>>)
    %dma_start3A_151 = arith.constant 384 : i32
    %dma_start3A_152 = arith.constant 0 : i32
    %dma_start3A_153 = tpu.memref_slice %arg10[%dma_start3A_151, %dma_start3A_152] : memref<1664x32xf32, #tpu.memory_space<vmem>> -> memref<128x32xf32, #tpu.memory_space<vmem>>
    %dma_start3A_154 = arith.constant 384 : i32
    %dma_start3A_155 = tpu.memref_slice %arg8[%dma_start3A_154] : memref<1664xi32, #tpu.memory_space<vmem>> -> memref<128xi32, #tpu.memory_space<vmem>>
    %dma_start3A_156 = arith.constant 0 : i32
    %dma_start3A_157 = arith.constant 0 : i32
    %dma_start3A_158 = tpu.memref_slice %arg3[%dma_start3A_156, %dma_start3A_157] : memref<2600000x32xf32, #tpu.memory_space<hbm>> -> memref<2600000x32xf32, #tpu.memory_space<hbm>>
    tpu.enqueue_indirect_dma source(%dma_start3A_158 : memref<2600000x32xf32, #tpu.memory_space<hbm>>) target(%dma_start3A_153 : memref<128x32xf32, #tpu.memory_space<vmem>>) offsets(%dma_start3A_155 : memref<128xi32, #tpu.memory_space<vmem>>) semaphore(%arg12 : memref<!tpu.dma_semaphore, #tpu.memory_space<semaphore_mem>>)
    %dma_start3A_159 = arith.constant 512 : i32
    %dma_start3A_160 = arith.constant 0 : i32
    %dma_start3A_161 = tpu.memref_slice %arg10[%dma_start3A_159, %dma_start3A_160] : memref<1664x32xf32, #tpu.memory_space<vmem>> -> memref<128x32xf32, #tpu.memory_space<vmem>>
    %dma_start3A_162 = arith.constant 512 : i32
    %dma_start3A_163 = tpu.memref_slice %arg8[%dma_start3A_162] : memref<1664xi32, #tpu.memory_space<vmem>> -> memref<128xi32, #tpu.memory_space<vmem>>
    %dma_start3A_164 = arith.constant 0 : i32
    %dma_start3A_165 = arith.constant 0 : i32
    %dma_start3A_166 = tpu.memref_slice %arg3[%dma_start3A_164, %dma_start3A_165] : memref<2600000x32xf32, #tpu.memory_space<hbm>> -> memref<2600000x32xf32, #tpu.memory_space<hbm>>
    tpu.enqueue_indirect_dma source(%dma_start3A_166 : memref<2600000x32xf32, #tpu.memory_space<hbm>>) target(%dma_start3A_161 : memref<128x32xf32, #tpu.memory_space<vmem>>) offsets(%dma_start3A_163 : memref<128xi32, #tpu.memory_space<vmem>>) semaphore(%arg12 : memref<!tpu.dma_semaphore, #tpu.memory_space<semaphore_mem>>)
    %dma_start3A_167 = arith.constant 640 : i32
    %dma_start3A_168 = arith.constant 0 : i32
    %dma_start3A_169 = tpu.memref_slice %arg10[%dma_start3A_167, %dma_start3A_168] : memref<1664x32xf32, #tpu.memory_space<vmem>> -> memref<128x32xf32, #tpu.memory_space<vmem>>
    %dma_start3A_170 = arith.constant 640 : i32
    %dma_start3A_171 = tpu.memref_slice %arg8[%dma_start3A_170] : memref<1664xi32, #tpu.memory_space<vmem>> -> memref<128xi32, #tpu.memory_space<vmem>>
    %dma_start3A_172 = arith.constant 0 : i32
    %dma_start3A_173 = arith.constant 0 : i32
    %dma_start3A_174 = tpu.memref_slice %arg3[%dma_start3A_172, %dma_start3A_173] : memref<2600000x32xf32, #tpu.memory_space<hbm>> -> memref<2600000x32xf32, #tpu.memory_space<hbm>>
    tpu.enqueue_indirect_dma source(%dma_start3A_174 : memref<2600000x32xf32, #tpu.memory_space<hbm>>) target(%dma_start3A_169 : memref<128x32xf32, #tpu.memory_space<vmem>>) offsets(%dma_start3A_171 : memref<128xi32, #tpu.memory_space<vmem>>) semaphore(%arg12 : memref<!tpu.dma_semaphore, #tpu.memory_space<semaphore_mem>>)
    %dma_start3A_175 = arith.constant 768 : i32
    %dma_start3A_176 = arith.constant 0 : i32
    %dma_start3A_177 = tpu.memref_slice %arg10[%dma_start3A_175, %dma_start3A_176] : memref<1664x32xf32, #tpu.memory_space<vmem>> -> memref<128x32xf32, #tpu.memory_space<vmem>>
    %dma_start3A_178 = arith.constant 768 : i32
    %dma_start3A_179 = tpu.memref_slice %arg8[%dma_start3A_178] : memref<1664xi32, #tpu.memory_space<vmem>> -> memref<128xi32, #tpu.memory_space<vmem>>
    %dma_start3A_180 = arith.constant 0 : i32
    %dma_start3A_181 = arith.constant 0 : i32
    %dma_start3A_182 = tpu.memref_slice %arg3[%dma_start3A_180, %dma_start3A_181] : memref<2600000x32xf32, #tpu.memory_space<hbm>> -> memref<2600000x32xf32, #tpu.memory_space<hbm>>
    tpu.enqueue_indirect_dma source(%dma_start3A_182 : memref<2600000x32xf32, #tpu.memory_space<hbm>>) target(%dma_start3A_177 : memref<128x32xf32, #tpu.memory_space<vmem>>) offsets(%dma_start3A_179 : memref<128xi32, #tpu.memory_space<vmem>>) semaphore(%arg12 : memref<!tpu.dma_semaphore, #tpu.memory_space<semaphore_mem>>)
    %dma_start3A_183 = arith.constant 896 : i32
    %dma_start3A_184 = arith.constant 0 : i32
    %dma_start3A_185 = tpu.memref_slice %arg10[%dma_start3A_183, %dma_start3A_184] : memref<1664x32xf32, #tpu.memory_space<vmem>> -> memref<128x32xf32, #tpu.memory_space<vmem>>
    %dma_start3A_186 = arith.constant 896 : i32
    %dma_start3A_187 = tpu.memref_slice %arg8[%dma_start3A_186] : memref<1664xi32, #tpu.memory_space<vmem>> -> memref<128xi32, #tpu.memory_space<vmem>>
    %dma_start3A_188 = arith.constant 0 : i32
    %dma_start3A_189 = arith.constant 0 : i32
    %dma_start3A_190 = tpu.memref_slice %arg3[%dma_start3A_188, %dma_start3A_189] : memref<2600000x32xf32, #tpu.memory_space<hbm>> -> memref<2600000x32xf32, #tpu.memory_space<hbm>>
    tpu.enqueue_indirect_dma source(%dma_start3A_190 : memref<2600000x32xf32, #tpu.memory_space<hbm>>) target(%dma_start3A_185 : memref<128x32xf32, #tpu.memory_space<vmem>>) offsets(%dma_start3A_187 : memref<128xi32, #tpu.memory_space<vmem>>) semaphore(%arg12 : memref<!tpu.dma_semaphore, #tpu.memory_space<semaphore_mem>>)
    %dma_start3A_191 = arith.constant 1024 : i32
    %dma_start3A_192 = arith.constant 0 : i32
    %dma_start3A_193 = tpu.memref_slice %arg10[%dma_start3A_191, %dma_start3A_192] : memref<1664x32xf32, #tpu.memory_space<vmem>> -> memref<128x32xf32, #tpu.memory_space<vmem>>
    %dma_start3A_194 = arith.constant 1024 : i32
    %dma_start3A_195 = tpu.memref_slice %arg8[%dma_start3A_194] : memref<1664xi32, #tpu.memory_space<vmem>> -> memref<128xi32, #tpu.memory_space<vmem>>
    %dma_start3A_196 = arith.constant 0 : i32
    %dma_start3A_197 = arith.constant 0 : i32
    %dma_start3A_198 = tpu.memref_slice %arg3[%dma_start3A_196, %dma_start3A_197] : memref<2600000x32xf32, #tpu.memory_space<hbm>> -> memref<2600000x32xf32, #tpu.memory_space<hbm>>
    tpu.enqueue_indirect_dma source(%dma_start3A_198 : memref<2600000x32xf32, #tpu.memory_space<hbm>>) target(%dma_start3A_193 : memref<128x32xf32, #tpu.memory_space<vmem>>) offsets(%dma_start3A_195 : memref<128xi32, #tpu.memory_space<vmem>>) semaphore(%arg12 : memref<!tpu.dma_semaphore, #tpu.memory_space<semaphore_mem>>)
    %dma_start3A_199 = arith.constant 1152 : i32
    %dma_start3A_200 = arith.constant 0 : i32
    %dma_start3A_201 = tpu.memref_slice %arg10[%dma_start3A_199, %dma_start3A_200] : memref<1664x32xf32, #tpu.memory_space<vmem>> -> memref<128x32xf32, #tpu.memory_space<vmem>>
    %dma_start3A_202 = arith.constant 1152 : i32
    %dma_start3A_203 = tpu.memref_slice %arg8[%dma_start3A_202] : memref<1664xi32, #tpu.memory_space<vmem>> -> memref<128xi32, #tpu.memory_space<vmem>>
    %dma_start3A_204 = arith.constant 0 : i32
    %dma_start3A_205 = arith.constant 0 : i32
    %dma_start3A_206 = tpu.memref_slice %arg3[%dma_start3A_204, %dma_start3A_205] : memref<2600000x32xf32, #tpu.memory_space<hbm>> -> memref<2600000x32xf32, #tpu.memory_space<hbm>>
    tpu.enqueue_indirect_dma source(%dma_start3A_206 : memref<2600000x32xf32, #tpu.memory_space<hbm>>) target(%dma_start3A_201 : memref<128x32xf32, #tpu.memory_space<vmem>>) offsets(%dma_start3A_203 : memref<128xi32, #tpu.memory_space<vmem>>) semaphore(%arg12 : memref<!tpu.dma_semaphore, #tpu.memory_space<semaphore_mem>>)
    %dma_start3A_207 = arith.constant 1280 : i32
    %dma_start3A_208 = arith.constant 0 : i32
    %dma_start3A_209 = tpu.memref_slice %arg10[%dma_start3A_207, %dma_start3A_208] : memref<1664x32xf32, #tpu.memory_space<vmem>> -> memref<128x32xf32, #tpu.memory_space<vmem>>
    %dma_start3A_210 = arith.constant 1280 : i32
    %dma_start3A_211 = tpu.memref_slice %arg8[%dma_start3A_210] : memref<1664xi32, #tpu.memory_space<vmem>> -> memref<128xi32, #tpu.memory_space<vmem>>
    %dma_start3A_212 = arith.constant 0 : i32
    %dma_start3A_213 = arith.constant 0 : i32
    %dma_start3A_214 = tpu.memref_slice %arg3[%dma_start3A_212, %dma_start3A_213] : memref<2600000x32xf32, #tpu.memory_space<hbm>> -> memref<2600000x32xf32, #tpu.memory_space<hbm>>
    tpu.enqueue_indirect_dma source(%dma_start3A_214 : memref<2600000x32xf32, #tpu.memory_space<hbm>>) target(%dma_start3A_209 : memref<128x32xf32, #tpu.memory_space<vmem>>) offsets(%dma_start3A_211 : memref<128xi32, #tpu.memory_space<vmem>>) semaphore(%arg12 : memref<!tpu.dma_semaphore, #tpu.memory_space<semaphore_mem>>)
    %dma_start3A_215 = arith.constant 1408 : i32
    %dma_start3A_216 = arith.constant 0 : i32
    %dma_start3A_217 = tpu.memref_slice %arg10[%dma_start3A_215, %dma_start3A_216] : memref<1664x32xf32, #tpu.memory_space<vmem>> -> memref<128x32xf32, #tpu.memory_space<vmem>>
    %dma_start3A_218 = arith.constant 1408 : i32
    %dma_start3A_219 = tpu.memref_slice %arg8[%dma_start3A_218] : memref<1664xi32, #tpu.memory_space<vmem>> -> memref<128xi32, #tpu.memory_space<vmem>>
    %dma_start3A_220 = arith.constant 0 : i32
    %dma_start3A_221 = arith.constant 0 : i32
    %dma_start3A_222 = tpu.memref_slice %arg3[%dma_start3A_220, %dma_start3A_221] : memref<2600000x32xf32, #tpu.memory_space<hbm>> -> memref<2600000x32xf32, #tpu.memory_space<hbm>>
    tpu.enqueue_indirect_dma source(%dma_start3A_222 : memref<2600000x32xf32, #tpu.memory_space<hbm>>) target(%dma_start3A_217 : memref<128x32xf32, #tpu.memory_space<vmem>>) offsets(%dma_start3A_219 : memref<128xi32, #tpu.memory_space<vmem>>) semaphore(%arg12 : memref<!tpu.dma_semaphore, #tpu.memory_space<semaphore_mem>>)
    %dma_start3A_223 = arith.constant 1536 : i32
    %dma_start3A_224 = arith.constant 0 : i32
    %dma_start3A_225 = tpu.memref_slice %arg10[%dma_start3A_223, %dma_start3A_224] : memref<1664x32xf32, #tpu.memory_space<vmem>> -> memref<128x32xf32, #tpu.memory_space<vmem>>
    %dma_start3A_226 = arith.constant 1536 : i32
    %dma_start3A_227 = tpu.memref_slice %arg8[%dma_start3A_226] : memref<1664xi32, #tpu.memory_space<vmem>> -> memref<128xi32, #tpu.memory_space<vmem>>
    %dma_start3A_228 = arith.constant 0 : i32
    %dma_start3A_229 = arith.constant 0 : i32
    %dma_start3A_230 = tpu.memref_slice %arg3[%dma_start3A_228, %dma_start3A_229] : memref<2600000x32xf32, #tpu.memory_space<hbm>> -> memref<2600000x32xf32, #tpu.memory_space<hbm>>
    tpu.enqueue_indirect_dma source(%dma_start3A_230 : memref<2600000x32xf32, #tpu.memory_space<hbm>>) target(%dma_start3A_225 : memref<128x32xf32, #tpu.memory_space<vmem>>) offsets(%dma_start3A_227 : memref<128xi32, #tpu.memory_space<vmem>>) semaphore(%arg12 : memref<!tpu.dma_semaphore, #tpu.memory_space<semaphore_mem>>)
    %add3A_231 = arith.constant 0 : i32
    %add3A_232 = arith.addi %mul3A_2, %add3A_231 : i32
    %multiple_of3A_233 = tpu.assume_multiple %add3A_232, 1664 : i32
    %dma_start3A_234 = arith.constant 0 : i32
    %dma_start3A_235 = tpu.memref_slice %arg5[%multiple_of3A_233, %dma_start3A_234] : memref<2129920x32xf32, #tpu.memory_space<hbm>> -> memref<1664x32xf32, #tpu.memory_space<hbm>>
    %dma_start3A_236 = arith.constant 0 : i32
    %dma_start3A_237 = tpu.memref_slice %arg5[%multiple_of3A_233, %dma_start3A_236] : memref<2129920x32xf32, #tpu.memory_space<hbm>> -> memref<1664x32xf32, #tpu.memory_space<hbm>>
    tpu.enqueue_dma source(%arg9 : memref<1664x32xf32, #tpu.memory_space<vmem>>) target(%dma_start3A_237 : memref<1664x32xf32, #tpu.memory_space<hbm>>) target_semaphore(%arg13 : memref<!tpu.dma_semaphore, #tpu.memory_space<semaphore_mem>>)
    %add3A_238 = arith.constant 3328 : i32
    %add3A_239 = arith.addi %mul3A_2, %add3A_238 : i32
    %multiple_of3A_240 = tpu.assume_multiple %add3A_239, 1664 : i32
    "tpu.region"() ({
      %run_scoped3A = tpu.sem_alloc : memref<!tpu.dma_semaphore, #tpu.memory_space<semaphore_mem>>
      %dma_start3A_280 = tpu.memref_slice %arg2[%multiple_of3A_240] : memref<2129920xi32, #tpu.memory_space<hbm>> -> memref<1664xi32, #tpu.memory_space<hbm>>
      %dma_start3A_281 = tpu.memref_slice %arg2[%multiple_of3A_240] : memref<2129920xi32, #tpu.memory_space<hbm>> -> memref<1664xi32, #tpu.memory_space<hbm>>
      tpu.enqueue_dma source(%dma_start3A_281 : memref<1664xi32, #tpu.memory_space<hbm>>) target(%arg7 : memref<1664xi32, #tpu.memory_space<vmem>>) target_semaphore(%run_scoped3A : memref<!tpu.dma_semaphore, #tpu.memory_space<semaphore_mem>>)
      %dma_wait3A_282 = tpu.memref_slice %arg2[%multiple_of3A_240] : memref<2129920xi32, #tpu.memory_space<hbm>> -> memref<1664xi32, #tpu.memory_space<hbm>>
      %dma_wait3A_283 = tpu.memref_slice %arg2[%multiple_of3A_240] : memref<2129920xi32, #tpu.memory_space<hbm>> -> memref<1664xi32, #tpu.memory_space<hbm>>
      tpu.wait_dma2 semaphore(%run_scoped3A : memref<!tpu.dma_semaphore, #tpu.memory_space<semaphore_mem>>) src(%dma_wait3A_283 : memref<1664xi32, #tpu.memory_space<hbm>>) dst(%arg7 : memref<1664xi32, #tpu.memory_space<vmem>>)
      tpu.yield
    }) : () -> ()
    %scan3A_241 = arith.constant 0 : i32
    %scan3A_242 = arith.constant 0 : i32
    %scan3A_243 = arith.constant 104 : i32
    %scan3A_244 = arith.addi %scan3A_242, %scan3A_243 : i32
    %scan3A_245 = arith.constant 1 : i32
    scf.for %scan3A_280 = %scan3A_242 to %scan3A_244 step %scan3A_245  : i32 {
      %mul3A_281 = arith.constant 16 : i32
      %mul3A_282 = arith.muli %scan3A_280, %mul3A_281 : i32
      %get3A = arith.index_cast %mul3A_282 : i32 to index
      %get3A_283 = tpu.vector_load %arg7[%get3A] {strides = array<i32>} : memref<1664xi32, #tpu.memory_space<vmem>>, vector<16xi32>,
      %get3A_284 = vector.shape_cast %get3A_283 : vector<16xi32> to vector<16xi32>
      %get3A_285 = arith.index_cast %mul3A_282 : i32 to index
      %get3A_286 = tpu.vector_load %arg6[%get3A_285] {strides = array<i32>} : memref<1664xi32, #tpu.memory_space<vmem>>, vector<16xi32>,
      %get3A_287 = vector.shape_cast %get3A_286 : vector<16xi32> to vector<16xi32>
      %add3A_288 = arith.addi %get3A_284, %get3A_287 : vector<16xi32>
      %swap3A = arith.index_cast %mul3A_282 : i32 to index
      %swap3A_289 = tpu.vector_load %arg7[%swap3A] {strides = array<i32>} : memref<1664xi32, #tpu.memory_space<vmem>>, vector<16xi32>,
      %swap3A_290 = vector.shape_cast %swap3A_289 : vector<16xi32> to vector<16xi32>
      %swap3A_291 = vector.shape_cast %add3A_288 : vector<16xi32> to vector<16xi32>
      tpu.vector_store %arg7[%swap3A], %swap3A_291 {strides = array<i32>} : memref<1664xi32, #tpu.memory_space<vmem>>, vector<16xi32>,
    }
    %scan3A_246 = arith.constant 104 : i32
    %scan3A_247 = arith.constant 0 : i32
    %scan3A_248 = arith.constant 0 : i32
    %scan3A_249 = arith.constant 19 : i32
    %scan3A_250 = arith.addi %scan3A_248, %scan3A_249 : i32
    %scan3A_251 = arith.constant 1 : i32
    scf.for %scan3A_280 = %scan3A_248 to %scan3A_250 step %scan3A_251  : i32 {
      %mul3A_281 = arith.constant 2 : i32
      %mul3A_282 = arith.muli %mul3A_281, %scan3A_280 : i32
      %add3A_283 = arith.constant 1 : i32
      %add3A_284 = arith.addi %mul3A_282, %add3A_283 : i32
      %dma_wait3A_285 = arith.constant 0 : i32
      %dma_wait3A_286 = arith.constant 0 : i32
      %dma_wait3A_287 = tpu.memref_slice %arg3[%dma_wait3A_285, %dma_wait3A_286] : memref<2600000x32xf32, #tpu.memory_space<hbm>> -> memref<1664x32xf32, #tpu.memory_space<hbm>>
      %dma_wait3A_288 = arith.constant 0 : i32
      %dma_wait3A_289 = arith.constant 0 : i32
      %dma_wait3A_290 = tpu.memref_slice %arg3[%dma_wait3A_288, %dma_wait3A_289] : memref<2600000x32xf32, #tpu.memory_space<hbm>> -> memref<1664x32xf32, #tpu.memory_space<hbm>>
      tpu.wait_dma2 semaphore(%arg12 : memref<!tpu.dma_semaphore, #tpu.memory_space<semaphore_mem>>) src(%dma_wait3A_290 : memref<1664x32xf32, #tpu.memory_space<hbm>>) dst(%arg10 : memref<1664x32xf32, #tpu.memory_space<vmem>>)
      %sub3A = arith.constant 1 : i32
      %sub3A_291 = arith.subi %add3A_284, %sub3A : i32
      %mul3A_292 = arith.constant 1664 : i32
      %mul3A_293 = arith.muli %sub3A_291, %mul3A_292 : i32
      %add3A_294 = arith.addi %mul3A_2, %mul3A_293 : i32
      %multiple_of3A_295 = tpu.assume_multiple %add3A_294, 1664 : i32
      %dma_wait3A_296 = arith.constant 0 : i32
      %dma_wait3A_297 = tpu.memref_slice %arg5[%multiple_of3A_295, %dma_wait3A_296] : memref<2129920x32xf32, #tpu.memory_space<hbm>> -> memref<1664x32xf32, #tpu.memory_space<hbm>>
      %dma_wait3A_298 = arith.constant 0 : i32
      %dma_wait3A_299 = tpu.memref_slice %arg5[%multiple_of3A_295, %dma_wait3A_298] : memref<2129920x32xf32, #tpu.memory_space<hbm>> -> memref<1664x32xf32, #tpu.memory_space<hbm>>
      tpu.wait_dma2 semaphore(%arg13 : memref<!tpu.dma_semaphore, #tpu.memory_space<semaphore_mem>>) src(%arg9 : memref<1664x32xf32, #tpu.memory_space<vmem>>) dst(%dma_wait3A_299 : memref<1664x32xf32, #tpu.memory_space<hbm>>)
      %dma_start3A_300 = arith.constant 0 : i32
      %dma_start3A_301 = arith.constant 0 : i32
      %dma_start3A_302 = tpu.memref_slice %arg9[%dma_start3A_300, %dma_start3A_301] : memref<1664x32xf32, #tpu.memory_space<vmem>> -> memref<128x32xf32, #tpu.memory_space<vmem>>
      %dma_start3A_303 = arith.constant 0 : i32
      %dma_start3A_304 = tpu.memref_slice %arg7[%dma_start3A_303] : memref<1664xi32, #tpu.memory_space<vmem>> -> memref<128xi32, #tpu.memory_space<vmem>>
      %dma_start3A_305 = arith.constant 0 : i32
      %dma_start3A_306 = arith.constant 0 : i32
      %dma_start3A_307 = tpu.memref_slice %arg3[%dma_start3A_305, %dma_start3A_306] : memref<2600000x32xf32, #tpu.memory_space<hbm>> -> memref<2600000x32xf32, #tpu.memory_space<hbm>>
      tpu.enqueue_indirect_dma source(%dma_start3A_307 : memref<2600000x32xf32, #tpu.memory_space<hbm>>) target(%dma_start3A_302 : memref<128x32xf32, #tpu.memory_space<vmem>>) offsets(%dma_start3A_304 : memref<128xi32, #tpu.memory_space<vmem>>) semaphore(%arg11 : memref<!tpu.dma_semaphore, #tpu.memory_space<semaphore_mem>>)
      %dma_start3A_308 = arith.constant 128 : i32
      %dma_start3A_309 = arith.constant 0 : i32
      %dma_start3A_310 = tpu.memref_slice %arg9[%dma_start3A_308, %dma_start3A_309] : memref<1664x32xf32, #tpu.memory_space<vmem>> -> memref<128x32xf32, #tpu.memory_space<vmem>>
      %dma_start3A_311 = arith.constant 128 : i32
      %dma_start3A_312 = tpu.memref_slice %arg7[%dma_start3A_311] : memref<1664xi32, #tpu.memory_space<vmem>> -> memref<128xi32, #tpu.memory_space<vmem>>
      %dma_start3A_313 = arith.constant 0 : i32
      %dma_start3A_314 = arith.constant 0 : i32
      %dma_start3A_315 = tpu.memref_slice %arg3[%dma_start3A_313, %dma_start3A_314] : memref<2600000x32xf32, #tpu.memory_space<hbm>> -> memref<2600000x32xf32, #tpu.memory_space<hbm>>
      tpu.enqueue_indirect_dma source(%dma_start3A_315 : memref<2600000x32xf32, #tpu.memory_space<hbm>>) target(%dma_start3A_310 : memref<128x32xf32, #tpu.memory_space<vmem>>) offsets(%dma_start3A_312 : memref<128xi32, #tpu.memory_space<vmem>>) semaphore(%arg11 : memref<!tpu.dma_semaphore, #tpu.memory_space<semaphore_mem>>)
      %dma_start3A_316 = arith.constant 256 : i32
      %dma_start3A_317 = arith.constant 0 : i32
      %dma_start3A_318 = tpu.memref_slice %arg9[%dma_start3A_316, %dma_start3A_317] : memref<1664x32xf32, #tpu.memory_space<vmem>> -> memref<128x32xf32, #tpu.memory_space<vmem>>
      %dma_start3A_319 = arith.constant 256 : i32
      %dma_start3A_320 = tpu.memref_slice %arg7[%dma_start3A_319] : memref<1664xi32, #tpu.memory_space<vmem>> -> memref<128xi32, #tpu.memory_space<vmem>>
      %dma_start3A_321 = arith.constant 0 : i32
      %dma_start3A_322 = arith.constant 0 : i32
      %dma_start3A_323 = tpu.memref_slice %arg3[%dma_start3A_321, %dma_start3A_322] : memref<2600000x32xf32, #tpu.memory_space<hbm>> -> memref<2600000x32xf32, #tpu.memory_space<hbm>>
      tpu.enqueue_indirect_dma source(%dma_start3A_323 : memref<2600000x32xf32, #tpu.memory_space<hbm>>) target(%dma_start3A_318 : memref<128x32xf32, #tpu.memory_space<vmem>>) offsets(%dma_start3A_320 : memref<128xi32, #tpu.memory_space<vmem>>) semaphore(%arg11 : memref<!tpu.dma_semaphore, #tpu.memory_space<semaphore_mem>>)
      %dma_start3A_324 = arith.constant 384 : i32
      %dma_start3A_325 = arith.constant 0 : i32
      %dma_start3A_326 = tpu.memref_slice %arg9[%dma_start3A_324, %dma_start3A_325] : memref<1664x32xf32, #tpu.memory_space<vmem>> -> memref<128x32xf32, #tpu.memory_space<vmem>>
      %dma_start3A_327 = arith.constant 384 : i32
      %dma_start3A_328 = tpu.memref_slice %arg7[%dma_start3A_327] : memref<1664xi32, #tpu.memory_space<vmem>> -> memref<128xi32, #tpu.memory_space<vmem>>
      %dma_start3A_329 = arith.constant 0 : i32
      %dma_start3A_330 = arith.constant 0 : i32
      %dma_start3A_331 = tpu.memref_slice %arg3[%dma_start3A_329, %dma_start3A_330] : memref<2600000x32xf32, #tpu.memory_space<hbm>> -> memref<2600000x32xf32, #tpu.memory_space<hbm>>
      tpu.enqueue_indirect_dma source(%dma_start3A_331 : memref<2600000x32xf32, #tpu.memory_space<hbm>>) target(%dma_start3A_326 : memref<128x32xf32, #tpu.memory_space<vmem>>) offsets(%dma_start3A_328 : memref<128xi32, #tpu.memory_space<vmem>>) semaphore(%arg11 : memref<!tpu.dma_semaphore, #tpu.memory_space<semaphore_mem>>)
      %dma_start3A_332 = arith.constant 512 : i32
      %dma_start3A_333 = arith.constant 0 : i32
      %dma_start3A_334 = tpu.memref_slice %arg9[%dma_start3A_332, %dma_start3A_333] : memref<1664x32xf32, #tpu.memory_space<vmem>> -> memref<128x32xf32, #tpu.memory_space<vmem>>
      %dma_start3A_335 = arith.constant 512 : i32
      %dma_start3A_336 = tpu.memref_slice %arg7[%dma_start3A_335] : memref<1664xi32, #tpu.memory_space<vmem>> -> memref<128xi32, #tpu.memory_space<vmem>>
      %dma_start3A_337 = arith.constant 0 : i32
      %dma_start3A_338 = arith.constant 0 : i32
      %dma_start3A_339 = tpu.memref_slice %arg3[%dma_start3A_337, %dma_start3A_338] : memref<2600000x32xf32, #tpu.memory_space<hbm>> -> memref<2600000x32xf32, #tpu.memory_space<hbm>>
      tpu.enqueue_indirect_dma source(%dma_start3A_339 : memref<2600000x32xf32, #tpu.memory_space<hbm>>) target(%dma_start3A_334 : memref<128x32xf32, #tpu.memory_space<vmem>>) offsets(%dma_start3A_336 : memref<128xi32, #tpu.memory_space<vmem>>) semaphore(%arg11 : memref<!tpu.dma_semaphore, #tpu.memory_space<semaphore_mem>>)
      %dma_start3A_340 = arith.constant 640 : i32
      %dma_start3A_341 = arith.constant 0 : i32
      %dma_start3A_342 = tpu.memref_slice %arg9[%dma_start3A_340, %dma_start3A_341] : memref<1664x32xf32, #tpu.memory_space<vmem>> -> memref<128x32xf32, #tpu.memory_space<vmem>>
      %dma_start3A_343 = arith.constant 640 : i32
      %dma_start3A_344 = tpu.memref_slice %arg7[%dma_start3A_343] : memref<1664xi32, #tpu.memory_space<vmem>> -> memref<128xi32, #tpu.memory_space<vmem>>
      %dma_start3A_345 = arith.constant 0 : i32
      %dma_start3A_346 = arith.constant 0 : i32
      %dma_start3A_347 = tpu.memref_slice %arg3[%dma_start3A_345, %dma_start3A_346] : memref<2600000x32xf32, #tpu.memory_space<hbm>> -> memref<2600000x32xf32, #tpu.memory_space<hbm>>
      tpu.enqueue_indirect_dma source(%dma_start3A_347 : memref<2600000x32xf32, #tpu.memory_space<hbm>>) target(%dma_start3A_342 : memref<128x32xf32, #tpu.memory_space<vmem>>) offsets(%dma_start3A_344 : memref<128xi32, #tpu.memory_space<vmem>>) semaphore(%arg11 : memref<!tpu.dma_semaphore, #tpu.memory_space<semaphore_mem>>)
      %dma_start3A_348 = arith.constant 768 : i32
      %dma_start3A_349 = arith.constant 0 : i32
      %dma_start3A_350 = tpu.memref_slice %arg9[%dma_start3A_348, %dma_start3A_349] : memref<1664x32xf32, #tpu.memory_space<vmem>> -> memref<128x32xf32, #tpu.memory_space<vmem>>
      %dma_start3A_351 = arith.constant 768 : i32
      %dma_start3A_352 = tpu.memref_slice %arg7[%dma_start3A_351] : memref<1664xi32, #tpu.memory_space<vmem>> -> memref<128xi32, #tpu.memory_space<vmem>>
      %dma_start3A_353 = arith.constant 0 : i32
      %dma_start3A_354 = arith.constant 0 : i32
      %dma_start3A_355 = tpu.memref_slice %arg3[%dma_start3A_353, %dma_start3A_354] : memref<2600000x32xf32, #tpu.memory_space<hbm>> -> memref<2600000x32xf32, #tpu.memory_space<hbm>>
      tpu.enqueue_indirect_dma source(%dma_start3A_355 : memref<2600000x32xf32, #tpu.memory_space<hbm>>) target(%dma_start3A_350 : memref<128x32xf32, #tpu.memory_space<vmem>>) offsets(%dma_start3A_352 : memref<128xi32, #tpu.memory_space<vmem>>) semaphore(%arg11 : memref<!tpu.dma_semaphore, #tpu.memory_space<semaphore_mem>>)
      %dma_start3A_356 = arith.constant 896 : i32
      %dma_start3A_357 = arith.constant 0 : i32
      %dma_start3A_358 = tpu.memref_slice %arg9[%dma_start3A_356, %dma_start3A_357] : memref<1664x32xf32, #tpu.memory_space<vmem>> -> memref<128x32xf32, #tpu.memory_space<vmem>>
      %dma_start3A_359 = arith.constant 896 : i32
      %dma_start3A_360 = tpu.memref_slice %arg7[%dma_start3A_359] : memref<1664xi32, #tpu.memory_space<vmem>> -> memref<128xi32, #tpu.memory_space<vmem>>
      %dma_start3A_361 = arith.constant 0 : i32
      %dma_start3A_362 = arith.constant 0 : i32
      %dma_start3A_363 = tpu.memref_slice %arg3[%dma_start3A_361, %dma_start3A_362] : memref<2600000x32xf32, #tpu.memory_space<hbm>> -> memref<2600000x32xf32, #tpu.memory_space<hbm>>
      tpu.enqueue_indirect_dma source(%dma_start3A_363 : memref<2600000x32xf32, #tpu.memory_space<hbm>>) target(%dma_start3A_358 : memref<128x32xf32, #tpu.memory_space<vmem>>) offsets(%dma_start3A_360 : memref<128xi32, #tpu.memory_space<vmem>>) semaphore(%arg11 : memref<!tpu.dma_semaphore, #tpu.memory_space<semaphore_mem>>)
      %dma_start3A_364 = arith.constant 1024 : i32
      %dma_start3A_365 = arith.constant 0 : i32
      %dma_start3A_366 = tpu.memref_slice %arg9[%dma_start3A_364, %dma_start3A_365] : memref<1664x32xf32, #tpu.memory_space<vmem>> -> memref<128x32xf32, #tpu.memory_space<vmem>>
      %dma_start3A_367 = arith.constant 1024 : i32
      %dma_start3A_368 = tpu.memref_slice %arg7[%dma_start3A_367] : memref<1664xi32, #tpu.memory_space<vmem>> -> memref<128xi32, #tpu.memory_space<vmem>>
      %dma_start3A_369 = arith.constant 0 : i32
      %dma_start3A_370 = arith.constant 0 : i32
      %dma_start3A_371 = tpu.memref_slice %arg3[%dma_start3A_369, %dma_start3A_370] : memref<2600000x32xf32, #tpu.memory_space<hbm>> -> memref<2600000x32xf32, #tpu.memory_space<hbm>>
      tpu.enqueue_indirect_dma source(%dma_start3A_371 : memref<2600000x32xf32, #tpu.memory_space<hbm>>) target(%dma_start3A_366 : memref<128x32xf32, #tpu.memory_space<vmem>>) offsets(%dma_start3A_368 : memref<128xi32, #tpu.memory_space<vmem>>) semaphore(%arg11 : memref<!tpu.dma_semaphore, #tpu.memory_space<semaphore_mem>>)
      %dma_start3A_372 = arith.constant 1152 : i32
      %dma_start3A_373 = arith.constant 0 : i32
      %dma_start3A_374 = tpu.memref_slice %arg9[%dma_start3A_372, %dma_start3A_373] : memref<1664x32xf32, #tpu.memory_space<vmem>> -> memref<128x32xf32, #tpu.memory_space<vmem>>
      %dma_start3A_375 = arith.constant 1152 : i32
      %dma_start3A_376 = tpu.memref_slice %arg7[%dma_start3A_375] : memref<1664xi32, #tpu.memory_space<vmem>> -> memref<128xi32, #tpu.memory_space<vmem>>
      %dma_start3A_377 = arith.constant 0 : i32
      %dma_start3A_378 = arith.constant 0 : i32
      %dma_start3A_379 = tpu.memref_slice %arg3[%dma_start3A_377, %dma_start3A_378] : memref<2600000x32xf32, #tpu.memory_space<hbm>> -> memref<2600000x32xf32, #tpu.memory_space<hbm>>
      tpu.enqueue_indirect_dma source(%dma_start3A_379 : memref<2600000x32xf32, #tpu.memory_space<hbm>>) target(%dma_start3A_374 : memref<128x32xf32, #tpu.memory_space<vmem>>) offsets(%dma_start3A_376 : memref<128xi32, #tpu.memory_space<vmem>>) semaphore(%arg11 : memref<!tpu.dma_semaphore, #tpu.memory_space<semaphore_mem>>)
      %dma_start3A_380 = arith.constant 1280 : i32
      %dma_start3A_381 = arith.constant 0 : i32
      %dma_start3A_382 = tpu.memref_slice %arg9[%dma_start3A_380, %dma_start3A_381] : memref<1664x32xf32, #tpu.memory_space<vmem>> -> memref<128x32xf32, #tpu.memory_space<vmem>>
      %dma_start3A_383 = arith.constant 1280 : i32
      %dma_start3A_384 = tpu.memref_slice %arg7[%dma_start3A_383] : memref<1664xi32, #tpu.memory_space<vmem>> -> memref<128xi32, #tpu.memory_space<vmem>>
      %dma_start3A_385 = arith.constant 0 : i32
      %dma_start3A_386 = arith.constant 0 : i32
      %dma_start3A_387 = tpu.memref_slice %arg3[%dma_start3A_385, %dma_start3A_386] : memref<2600000x32xf32, #tpu.memory_space<hbm>> -> memref<2600000x32xf32, #tpu.memory_space<hbm>>
      tpu.enqueue_indirect_dma source(%dma_start3A_387 : memref<2600000x32xf32, #tpu.memory_space<hbm>>) target(%dma_start3A_382 : memref<128x32xf32, #tpu.memory_space<vmem>>) offsets(%dma_start3A_384 : memref<128xi32, #tpu.memory_space<vmem>>) semaphore(%arg11 : memref<!tpu.dma_semaphore, #tpu.memory_space<semaphore_mem>>)
      %dma_start3A_388 = arith.constant 1408 : i32
      %dma_start3A_389 = arith.constant 0 : i32
      %dma_start3A_390 = tpu.memref_slice %arg9[%dma_start3A_388, %dma_start3A_389] : memref<1664x32xf32, #tpu.memory_space<vmem>> -> memref<128x32xf32, #tpu.memory_space<vmem>>
      %dma_start3A_391 = arith.constant 1408 : i32
      %dma_start3A_392 = tpu.memref_slice %arg7[%dma_start3A_391] : memref<1664xi32, #tpu.memory_space<vmem>> -> memref<128xi32, #tpu.memory_space<vmem>>
      %dma_start3A_393 = arith.constant 0 : i32
      %dma_start3A_394 = arith.constant 0 : i32
      %dma_start3A_395 = tpu.memref_slice %arg3[%dma_start3A_393, %dma_start3A_394] : memref<2600000x32xf32, #tpu.memory_space<hbm>> -> memref<2600000x32xf32, #tpu.memory_space<hbm>>
      tpu.enqueue_indirect_dma source(%dma_start3A_395 : memref<2600000x32xf32, #tpu.memory_space<hbm>>) target(%dma_start3A_390 : memref<128x32xf32, #tpu.memory_space<vmem>>) offsets(%dma_start3A_392 : memref<128xi32, #tpu.memory_space<vmem>>) semaphore(%arg11 : memref<!tpu.dma_semaphore, #tpu.memory_space<semaphore_mem>>)
      %dma_start3A_396 = arith.constant 1536 : i32
      %dma_start3A_397 = arith.constant 0 : i32
      %dma_start3A_398 = tpu.memref_slice %arg9[%dma_start3A_396, %dma_start3A_397] : memref<1664x32xf32, #tpu.memory_space<vmem>> -> memref<128x32xf32, #tpu.memory_space<vmem>>
      %dma_start3A_399 = arith.constant 1536 : i32
      %dma_start3A_400 = tpu.memref_slice %arg7[%dma_start3A_399] : memref<1664xi32, #tpu.memory_space<vmem>> -> memref<128xi32, #tpu.memory_space<vmem>>
      %dma_start3A_401 = arith.constant 0 : i32
      %dma_start3A_402 = arith.constant 0 : i32
      %dma_start3A_403 = tpu.memref_slice %arg3[%dma_start3A_401, %dma_start3A_402] : memref<2600000x32xf32, #tpu.memory_space<hbm>> -> memref<2600000x32xf32, #tpu.memory_space<hbm>>
      tpu.enqueue_indirect_dma source(%dma_start3A_403 : memref<2600000x32xf32, #tpu.memory_space<hbm>>) target(%dma_start3A_398 : memref<128x32xf32, #tpu.memory_space<vmem>>) offsets(%dma_start3A_400 : memref<128xi32, #tpu.memory_space<vmem>>) semaphore(%arg11 : memref<!tpu.dma_semaphore, #tpu.memory_space<semaphore_mem>>)
      %mul3A_404 = arith.constant 1664 : i32
      %mul3A_405 = arith.muli %add3A_284, %mul3A_404 : i32
      %add3A_406 = arith.addi %mul3A_2, %mul3A_405 : i32
      %multiple_of3A_407 = tpu.assume_multiple %add3A_406, 1664 : i32
      %dma_start3A_408 = arith.constant 0 : i32
      %dma_start3A_409 = tpu.memref_slice %arg5[%multiple_of3A_407, %dma_start3A_408] : memref<2129920x32xf32, #tpu.memory_space<hbm>> -> memref<1664x32xf32, #tpu.memory_space<hbm>>
      %dma_start3A_410 = arith.constant 0 : i32
      %dma_start3A_411 = tpu.memref_slice %arg5[%multiple_of3A_407, %dma_start3A_410] : memref<2129920x32xf32, #tpu.memory_space<hbm>> -> memref<1664x32xf32, #tpu.memory_space<hbm>>
      tpu.enqueue_dma source(%arg10 : memref<1664x32xf32, #tpu.memory_space<vmem>>) target(%dma_start3A_411 : memref<1664x32xf32, #tpu.memory_space<hbm>>) target_semaphore(%arg14 : memref<!tpu.dma_semaphore, #tpu.memory_space<semaphore_mem>>)
      %add3A_412 = arith.constant 2 : i32
      %add3A_413 = arith.addi %add3A_284, %add3A_412 : i32
      %rem3A = arith.constant 40 : i32
      %rem3A_414 = arith.remsi %add3A_413, %rem3A : i32
      %mul3A_415 = arith.constant 1664 : i32
      %mul3A_416 = arith.muli %rem3A_414, %mul3A_415 : i32
      %add3A_417 = arith.addi %mul3A_2, %mul3A_416 : i32
      %multiple_of3A_418 = tpu.assume_multiple %add3A_417, 1664 : i32
      "tpu.region"() ({
        %run_scoped3A = tpu.sem_alloc : memref<!tpu.dma_semaphore, #tpu.memory_space<semaphore_mem>>
        %dma_start3A_569 = tpu.memref_slice %arg2[%multiple_of3A_418] : memref<2129920xi32, #tpu.memory_space<hbm>> -> memref<1664xi32, #tpu.memory_space<hbm>>
        %dma_start3A_570 = tpu.memref_slice %arg2[%multiple_of3A_418] : memref<2129920xi32, #tpu.memory_space<hbm>> -> memref<1664xi32, #tpu.memory_space<hbm>>
        tpu.enqueue_dma source(%dma_start3A_570 : memref<1664xi32, #tpu.memory_space<hbm>>) target(%arg8 : memref<1664xi32, #tpu.memory_space<vmem>>) target_semaphore(%run_scoped3A : memref<!tpu.dma_semaphore, #tpu.memory_space<semaphore_mem>>)
        %dma_wait3A_571 = tpu.memref_slice %arg2[%multiple_of3A_418] : memref<2129920xi32, #tpu.memory_space<hbm>> -> memref<1664xi32, #tpu.memory_space<hbm>>
        %dma_wait3A_572 = tpu.memref_slice %arg2[%multiple_of3A_418] : memref<2129920xi32, #tpu.memory_space<hbm>> -> memref<1664xi32, #tpu.memory_space<hbm>>
        tpu.wait_dma2 semaphore(%run_scoped3A : memref<!tpu.dma_semaphore, #tpu.memory_space<semaphore_mem>>) src(%dma_wait3A_572 : memref<1664xi32, #tpu.memory_space<hbm>>) dst(%arg8 : memref<1664xi32, #tpu.memory_space<vmem>>)
        tpu.yield
      }) : () -> ()
      %scan3A_419 = arith.constant 0 : i32
      %scan3A_420 = arith.constant 0 : i32
      %scan3A_421 = arith.constant 104 : i32
      %scan3A_422 = arith.addi %scan3A_420, %scan3A_421 : i32
      %scan3A_423 = arith.constant 1 : i32
      scf.for %scan3A_569 = %scan3A_420 to %scan3A_422 step %scan3A_423  : i32 {
        %mul3A_570 = arith.constant 16 : i32
        %mul3A_571 = arith.muli %scan3A_569, %mul3A_570 : i32
        %get3A = arith.index_cast %mul3A_571 : i32 to index
        %get3A_572 = tpu.vector_load %arg8[%get3A] {strides = array<i32>} : memref<1664xi32, #tpu.memory_space<vmem>>, vector<16xi32>,
        %get3A_573 = vector.shape_cast %get3A_572 : vector<16xi32> to vector<16xi32>
        %get3A_574 = arith.index_cast %mul3A_571 : i32 to index
        %get3A_575 = tpu.vector_load %arg6[%get3A_574] {strides = array<i32>} : memref<1664xi32, #tpu.memory_space<vmem>>, vector<16xi32>,
        %get3A_576 = vector.shape_cast %get3A_575 : vector<16xi32> to vector<16xi32>
        %add3A_577 = arith.addi %get3A_573, %get3A_576 : vector<16xi32>
        %swap3A = arith.index_cast %mul3A_571 : i32 to index
        %swap3A_578 = tpu.vector_load %arg8[%swap3A] {strides = array<i32>} : memref<1664xi32, #tpu.memory_space<vmem>>, vector<16xi32>,
        %swap3A_579 = vector.shape_cast %swap3A_578 : vector<16xi32> to vector<16xi32>
        %swap3A_580 = vector.shape_cast %add3A_577 : vector<16xi32> to vector<16xi32>
        tpu.vector_store %arg8[%swap3A], %swap3A_580 {strides = array<i32>} : memref<1664xi32, #tpu.memory_space<vmem>>, vector<16xi32>,
      }
      %scan3A_424 = arith.constant 104 : i32
      %add3A_425 = arith.constant 1 : i32
      %add3A_426 = arith.addi %add3A_284, %add3A_425 : i32
      %dma_wait3A_427 = arith.constant 0 : i32
      %dma_wait3A_428 = arith.constant 0 : i32
      %dma_wait3A_429 = tpu.memref_slice %arg3[%dma_wait3A_427, %dma_wait3A_428] : memref<2600000x32xf32, #tpu.memory_space<hbm>> -> memref<1664x32xf32, #tpu.memory_space<hbm>>
      %dma_wait3A_430 = arith.constant 0 : i32
      %dma_wait3A_431 = arith.constant 0 : i32
      %dma_wait3A_432 = tpu.memref_slice %arg3[%dma_wait3A_430, %dma_wait3A_431] : memref<2600000x32xf32, #tpu.memory_space<hbm>> -> memref<1664x32xf32, #tpu.memory_space<hbm>>
      tpu.wait_dma2 semaphore(%arg11 : memref<!tpu.dma_semaphore, #tpu.memory_space<semaphore_mem>>) src(%dma_wait3A_432 : memref<1664x32xf32, #tpu.memory_space<hbm>>) dst(%arg9 : memref<1664x32xf32, #tpu.memory_space<vmem>>)
      %sub3A_433 = arith.constant 1 : i32
      %sub3A_434 = arith.subi %add3A_426, %sub3A_433 : i32
      %mul3A_435 = arith.constant 1664 : i32
      %mul3A_436 = arith.muli %sub3A_434, %mul3A_435 : i32
      %add3A_437 = arith.addi %mul3A_2, %mul3A_436 : i32
      %multiple_of3A_438 = tpu.assume_multiple %add3A_437, 1664 : i32
      %dma_wait3A_439 = arith.constant 0 : i32
      %dma_wait3A_440 = tpu.memref_slice %arg5[%multiple_of3A_438, %dma_wait3A_439] : memref<2129920x32xf32, #tpu.memory_space<hbm>> -> memref<1664x32xf32, #tpu.memory_space<hbm>>
      %dma_wait3A_441 = arith.constant 0 : i32
      %dma_wait3A_442 = tpu.memref_slice %arg5[%multiple_of3A_438, %dma_wait3A_441] : memref<2129920x32xf32, #tpu.memory_space<hbm>> -> memref<1664x32xf32, #tpu.memory_space<hbm>>
      tpu.wait_dma2 semaphore(%arg14 : memref<!tpu.dma_semaphore, #tpu.memory_space<semaphore_mem>>) src(%arg10 : memref<1664x32xf32, #tpu.memory_space<vmem>>) dst(%dma_wait3A_442 : memref<1664x32xf32, #tpu.memory_space<hbm>>)
      %dma_start3A_443 = arith.constant 0 : i32
      %dma_start3A_444 = arith.constant 0 : i32
      %dma_start3A_445 = tpu.memref_slice %arg10[%dma_start3A_443, %dma_start3A_444] : memref<1664x32xf32, #tpu.memory_space<vmem>> -> memref<128x32xf32, #tpu.memory_space<vmem>>
      %dma_start3A_446 = arith.constant 0 : i32
      %dma_start3A_447 = tpu.memref_slice %arg8[%dma_start3A_446] : memref<1664xi32, #tpu.memory_space<vmem>> -> memref<128xi32, #tpu.memory_space<vmem>>
      %dma_start3A_448 = arith.constant 0 : i32
      %dma_start3A_449 = arith.constant 0 : i32
      %dma_start3A_450 = tpu.memref_slice %arg3[%dma_start3A_448, %dma_start3A_449] : memref<2600000x32xf32, #tpu.memory_space<hbm>> -> memref<2600000x32xf32, #tpu.memory_space<hbm>>
      tpu.enqueue_indirect_dma source(%dma_start3A_450 : memref<2600000x32xf32, #tpu.memory_space<hbm>>) target(%dma_start3A_445 : memref<128x32xf32, #tpu.memory_space<vmem>>) offsets(%dma_start3A_447 : memref<128xi32, #tpu.memory_space<vmem>>) semaphore(%arg12 : memref<!tpu.dma_semaphore, #tpu.memory_space<semaphore_mem>>)
      %dma_start3A_451 = arith.constant 128 : i32
      %dma_start3A_452 = arith.constant 0 : i32
      %dma_start3A_453 = tpu.memref_slice %arg10[%dma_start3A_451, %dma_start3A_452] : memref<1664x32xf32, #tpu.memory_space<vmem>> -> memref<128x32xf32, #tpu.memory_space<vmem>>
      %dma_start3A_454 = arith.constant 128 : i32
      %dma_start3A_455 = tpu.memref_slice %arg8[%dma_start3A_454] : memref<1664xi32, #tpu.memory_space<vmem>> -> memref<128xi32, #tpu.memory_space<vmem>>
      %dma_start3A_456 = arith.constant 0 : i32
      %dma_start3A_457 = arith.constant 0 : i32
      %dma_start3A_458 = tpu.memref_slice %arg3[%dma_start3A_456, %dma_start3A_457] : memref<2600000x32xf32, #tpu.memory_space<hbm>> -> memref<2600000x32xf32, #tpu.memory_space<hbm>>
      tpu.enqueue_indirect_dma source(%dma_start3A_458 : memref<2600000x32xf32, #tpu.memory_space<hbm>>) target(%dma_start3A_453 : memref<128x32xf32, #tpu.memory_space<vmem>>) offsets(%dma_start3A_455 : memref<128xi32, #tpu.memory_space<vmem>>) semaphore(%arg12 : memref<!tpu.dma_semaphore, #tpu.memory_space<semaphore_mem>>)
      %dma_start3A_459 = arith.constant 256 : i32
      %dma_start3A_460 = arith.constant 0 : i32
      %dma_start3A_461 = tpu.memref_slice %arg10[%dma_start3A_459, %dma_start3A_460] : memref<1664x32xf32, #tpu.memory_space<vmem>> -> memref<128x32xf32, #tpu.memory_space<vmem>>
      %dma_start3A_462 = arith.constant 256 : i32
      %dma_start3A_463 = tpu.memref_slice %arg8[%dma_start3A_462] : memref<1664xi32, #tpu.memory_space<vmem>> -> memref<128xi32, #tpu.memory_space<vmem>>
      %dma_start3A_464 = arith.constant 0 : i32
      %dma_start3A_465 = arith.constant 0 : i32
      %dma_start3A_466 = tpu.memref_slice %arg3[%dma_start3A_464, %dma_start3A_465] : memref<2600000x32xf32, #tpu.memory_space<hbm>> -> memref<2600000x32xf32, #tpu.memory_space<hbm>>
      tpu.enqueue_indirect_dma source(%dma_start3A_466 : memref<2600000x32xf32, #tpu.memory_space<hbm>>) target(%dma_start3A_461 : memref<128x32xf32, #tpu.memory_space<vmem>>) offsets(%dma_start3A_463 : memref<128xi32, #tpu.memory_space<vmem>>) semaphore(%arg12 : memref<!tpu.dma_semaphore, #tpu.memory_space<semaphore_mem>>)
      %dma_start3A_467 = arith.constant 384 : i32
      %dma_start3A_468 = arith.constant 0 : i32
      %dma_start3A_469 = tpu.memref_slice %arg10[%dma_start3A_467, %dma_start3A_468] : memref<1664x32xf32, #tpu.memory_space<vmem>> -> memref<128x32xf32, #tpu.memory_space<vmem>>
      %dma_start3A_470 = arith.constant 384 : i32
      %dma_start3A_471 = tpu.memref_slice %arg8[%dma_start3A_470] : memref<1664xi32, #tpu.memory_space<vmem>> -> memref<128xi32, #tpu.memory_space<vmem>>
      %dma_start3A_472 = arith.constant 0 : i32
      %dma_start3A_473 = arith.constant 0 : i32
      %dma_start3A_474 = tpu.memref_slice %arg3[%dma_start3A_472, %dma_start3A_473] : memref<2600000x32xf32, #tpu.memory_space<hbm>> -> memref<2600000x32xf32, #tpu.memory_space<hbm>>
      tpu.enqueue_indirect_dma source(%dma_start3A_474 : memref<2600000x32xf32, #tpu.memory_space<hbm>>) target(%dma_start3A_469 : memref<128x32xf32, #tpu.memory_space<vmem>>) offsets(%dma_start3A_471 : memref<128xi32, #tpu.memory_space<vmem>>) semaphore(%arg12 : memref<!tpu.dma_semaphore, #tpu.memory_space<semaphore_mem>>)
      %dma_start3A_475 = arith.constant 512 : i32
      %dma_start3A_476 = arith.constant 0 : i32
      %dma_start3A_477 = tpu.memref_slice %arg10[%dma_start3A_475, %dma_start3A_476] : memref<1664x32xf32, #tpu.memory_space<vmem>> -> memref<128x32xf32, #tpu.memory_space<vmem>>
      %dma_start3A_478 = arith.constant 512 : i32
      %dma_start3A_479 = tpu.memref_slice %arg8[%dma_start3A_478] : memref<1664xi32, #tpu.memory_space<vmem>> -> memref<128xi32, #tpu.memory_space<vmem>>
      %dma_start3A_480 = arith.constant 0 : i32
      %dma_start3A_481 = arith.constant 0 : i32
      %dma_start3A_482 = tpu.memref_slice %arg3[%dma_start3A_480, %dma_start3A_481] : memref<2600000x32xf32, #tpu.memory_space<hbm>> -> memref<2600000x32xf32, #tpu.memory_space<hbm>>
      tpu.enqueue_indirect_dma source(%dma_start3A_482 : memref<2600000x32xf32, #tpu.memory_space<hbm>>) target(%dma_start3A_477 : memref<128x32xf32, #tpu.memory_space<vmem>>) offsets(%dma_start3A_479 : memref<128xi32, #tpu.memory_space<vmem>>) semaphore(%arg12 : memref<!tpu.dma_semaphore, #tpu.memory_space<semaphore_mem>>)
      %dma_start3A_483 = arith.constant 640 : i32
      %dma_start3A_484 = arith.constant 0 : i32
      %dma_start3A_485 = tpu.memref_slice %arg10[%dma_start3A_483, %dma_start3A_484] : memref<1664x32xf32, #tpu.memory_space<vmem>> -> memref<128x32xf32, #tpu.memory_space<vmem>>
      %dma_start3A_486 = arith.constant 640 : i32
      %dma_start3A_487 = tpu.memref_slice %arg8[%dma_start3A_486] : memref<1664xi32, #tpu.memory_space<vmem>> -> memref<128xi32, #tpu.memory_space<vmem>>
      %dma_start3A_488 = arith.constant 0 : i32
      %dma_start3A_489 = arith.constant 0 : i32
      %dma_start3A_490 = tpu.memref_slice %arg3[%dma_start3A_488, %dma_start3A_489] : memref<2600000x32xf32, #tpu.memory_space<hbm>> -> memref<2600000x32xf32, #tpu.memory_space<hbm>>
      tpu.enqueue_indirect_dma source(%dma_start3A_490 : memref<2600000x32xf32, #tpu.memory_space<hbm>>) target(%dma_start3A_485 : memref<128x32xf32, #tpu.memory_space<vmem>>) offsets(%dma_start3A_487 : memref<128xi32, #tpu.memory_space<vmem>>) semaphore(%arg12 : memref<!tpu.dma_semaphore, #tpu.memory_space<semaphore_mem>>)
      %dma_start3A_491 = arith.constant 768 : i32
      %dma_start3A_492 = arith.constant 0 : i32
      %dma_start3A_493 = tpu.memref_slice %arg10[%dma_start3A_491, %dma_start3A_492] : memref<1664x32xf32, #tpu.memory_space<vmem>> -> memref<128x32xf32, #tpu.memory_space<vmem>>
      %dma_start3A_494 = arith.constant 768 : i32
      %dma_start3A_495 = tpu.memref_slice %arg8[%dma_start3A_494] : memref<1664xi32, #tpu.memory_space<vmem>> -> memref<128xi32, #tpu.memory_space<vmem>>
      %dma_start3A_496 = arith.constant 0 : i32
      %dma_start3A_497 = arith.constant 0 : i32
      %dma_start3A_498 = tpu.memref_slice %arg3[%dma_start3A_496, %dma_start3A_497] : memref<2600000x32xf32, #tpu.memory_space<hbm>> -> memref<2600000x32xf32, #tpu.memory_space<hbm>>
      tpu.enqueue_indirect_dma source(%dma_start3A_498 : memref<2600000x32xf32, #tpu.memory_space<hbm>>) target(%dma_start3A_493 : memref<128x32xf32, #tpu.memory_space<vmem>>) offsets(%dma_start3A_495 : memref<128xi32, #tpu.memory_space<vmem>>) semaphore(%arg12 : memref<!tpu.dma_semaphore, #tpu.memory_space<semaphore_mem>>)
      %dma_start3A_499 = arith.constant 896 : i32
      %dma_start3A_500 = arith.constant 0 : i32
      %dma_start3A_501 = tpu.memref_slice %arg10[%dma_start3A_499, %dma_start3A_500] : memref<1664x32xf32, #tpu.memory_space<vmem>> -> memref<128x32xf32, #tpu.memory_space<vmem>>
      %dma_start3A_502 = arith.constant 896 : i32
      %dma_start3A_503 = tpu.memref_slice %arg8[%dma_start3A_502] : memref<1664xi32, #tpu.memory_space<vmem>> -> memref<128xi32, #tpu.memory_space<vmem>>
      %dma_start3A_504 = arith.constant 0 : i32
      %dma_start3A_505 = arith.constant 0 : i32
      %dma_start3A_506 = tpu.memref_slice %arg3[%dma_start3A_504, %dma_start3A_505] : memref<2600000x32xf32, #tpu.memory_space<hbm>> -> memref<2600000x32xf32, #tpu.memory_space<hbm>>
      tpu.enqueue_indirect_dma source(%dma_start3A_506 : memref<2600000x32xf32, #tpu.memory_space<hbm>>) target(%dma_start3A_501 : memref<128x32xf32, #tpu.memory_space<vmem>>) offsets(%dma_start3A_503 : memref<128xi32, #tpu.memory_space<vmem>>) semaphore(%arg12 : memref<!tpu.dma_semaphore, #tpu.memory_space<semaphore_mem>>)
      %dma_start3A_507 = arith.constant 1024 : i32
      %dma_start3A_508 = arith.constant 0 : i32
      %dma_start3A_509 = tpu.memref_slice %arg10[%dma_start3A_507, %dma_start3A_508] : memref<1664x32xf32, #tpu.memory_space<vmem>> -> memref<128x32xf32, #tpu.memory_space<vmem>>
      %dma_start3A_510 = arith.constant 1024 : i32
      %dma_start3A_511 = tpu.memref_slice %arg8[%dma_start3A_510] : memref<1664xi32, #tpu.memory_space<vmem>> -> memref<128xi32, #tpu.memory_space<vmem>>
      %dma_start3A_512 = arith.constant 0 : i32
      %dma_start3A_513 = arith.constant 0 : i32
      %dma_start3A_514 = tpu.memref_slice %arg3[%dma_start3A_512, %dma_start3A_513] : memref<2600000x32xf32, #tpu.memory_space<hbm>> -> memref<2600000x32xf32, #tpu.memory_space<hbm>>
      tpu.enqueue_indirect_dma source(%dma_start3A_514 : memref<2600000x32xf32, #tpu.memory_space<hbm>>) target(%dma_start3A_509 : memref<128x32xf32, #tpu.memory_space<vmem>>) offsets(%dma_start3A_511 : memref<128xi32, #tpu.memory_space<vmem>>) semaphore(%arg12 : memref<!tpu.dma_semaphore, #tpu.memory_space<semaphore_mem>>)
      %dma_start3A_515 = arith.constant 1152 : i32
      %dma_start3A_516 = arith.constant 0 : i32
      %dma_start3A_517 = tpu.memref_slice %arg10[%dma_start3A_515, %dma_start3A_516] : memref<1664x32xf32, #tpu.memory_space<vmem>> -> memref<128x32xf32, #tpu.memory_space<vmem>>
      %dma_start3A_518 = arith.constant 1152 : i32
      %dma_start3A_519 = tpu.memref_slice %arg8[%dma_start3A_518] : memref<1664xi32, #tpu.memory_space<vmem>> -> memref<128xi32, #tpu.memory_space<vmem>>
      %dma_start3A_520 = arith.constant 0 : i32
      %dma_start3A_521 = arith.constant 0 : i32
      %dma_start3A_522 = tpu.memref_slice %arg3[%dma_start3A_520, %dma_start3A_521] : memref<2600000x32xf32, #tpu.memory_space<hbm>> -> memref<2600000x32xf32, #tpu.memory_space<hbm>>
      tpu.enqueue_indirect_dma source(%dma_start3A_522 : memref<2600000x32xf32, #tpu.memory_space<hbm>>) target(%dma_start3A_517 : memref<128x32xf32, #tpu.memory_space<vmem>>) offsets(%dma_start3A_519 : memref<128xi32, #tpu.memory_space<vmem>>) semaphore(%arg12 : memref<!tpu.dma_semaphore, #tpu.memory_space<semaphore_mem>>)
      %dma_start3A_523 = arith.constant 1280 : i32
      %dma_start3A_524 = arith.constant 0 : i32
      %dma_start3A_525 = tpu.memref_slice %arg10[%dma_start3A_523, %dma_start3A_524] : memref<1664x32xf32, #tpu.memory_space<vmem>> -> memref<128x32xf32, #tpu.memory_space<vmem>>
      %dma_start3A_526 = arith.constant 1280 : i32
      %dma_start3A_527 = tpu.memref_slice %arg8[%dma_start3A_526] : memref<1664xi32, #tpu.memory_space<vmem>> -> memref<128xi32, #tpu.memory_space<vmem>>
      %dma_start3A_528 = arith.constant 0 : i32
      %dma_start3A_529 = arith.constant 0 : i32
      %dma_start3A_530 = tpu.memref_slice %arg3[%dma_start3A_528, %dma_start3A_529] : memref<2600000x32xf32, #tpu.memory_space<hbm>> -> memref<2600000x32xf32, #tpu.memory_space<hbm>>
      tpu.enqueue_indirect_dma source(%dma_start3A_530 : memref<2600000x32xf32, #tpu.memory_space<hbm>>) target(%dma_start3A_525 : memref<128x32xf32, #tpu.memory_space<vmem>>) offsets(%dma_start3A_527 : memref<128xi32, #tpu.memory_space<vmem>>) semaphore(%arg12 : memref<!tpu.dma_semaphore, #tpu.memory_space<semaphore_mem>>)
      %dma_start3A_531 = arith.constant 1408 : i32
      %dma_start3A_532 = arith.constant 0 : i32
      %dma_start3A_533 = tpu.memref_slice %arg10[%dma_start3A_531, %dma_start3A_532] : memref<1664x32xf32, #tpu.memory_space<vmem>> -> memref<128x32xf32, #tpu.memory_space<vmem>>
      %dma_start3A_534 = arith.constant 1408 : i32
      %dma_start3A_535 = tpu.memref_slice %arg8[%dma_start3A_534] : memref<1664xi32, #tpu.memory_space<vmem>> -> memref<128xi32, #tpu.memory_space<vmem>>
      %dma_start3A_536 = arith.constant 0 : i32
      %dma_start3A_537 = arith.constant 0 : i32
      %dma_start3A_538 = tpu.memref_slice %arg3[%dma_start3A_536, %dma_start3A_537] : memref<2600000x32xf32, #tpu.memory_space<hbm>> -> memref<2600000x32xf32, #tpu.memory_space<hbm>>
      tpu.enqueue_indirect_dma source(%dma_start3A_538 : memref<2600000x32xf32, #tpu.memory_space<hbm>>) target(%dma_start3A_533 : memref<128x32xf32, #tpu.memory_space<vmem>>) offsets(%dma_start3A_535 : memref<128xi32, #tpu.memory_space<vmem>>) semaphore(%arg12 : memref<!tpu.dma_semaphore, #tpu.memory_space<semaphore_mem>>)
      %dma_start3A_539 = arith.constant 1536 : i32
      %dma_start3A_540 = arith.constant 0 : i32
      %dma_start3A_541 = tpu.memref_slice %arg10[%dma_start3A_539, %dma_start3A_540] : memref<1664x32xf32, #tpu.memory_space<vmem>> -> memref<128x32xf32, #tpu.memory_space<vmem>>
      %dma_start3A_542 = arith.constant 1536 : i32
      %dma_start3A_543 = tpu.memref_slice %arg8[%dma_start3A_542] : memref<1664xi32, #tpu.memory_space<vmem>> -> memref<128xi32, #tpu.memory_space<vmem>>
      %dma_start3A_544 = arith.constant 0 : i32
      %dma_start3A_545 = arith.constant 0 : i32
      %dma_start3A_546 = tpu.memref_slice %arg3[%dma_start3A_544, %dma_start3A_545] : memref<2600000x32xf32, #tpu.memory_space<hbm>> -> memref<2600000x32xf32, #tpu.memory_space<hbm>>
      tpu.enqueue_indirect_dma source(%dma_start3A_546 : memref<2600000x32xf32, #tpu.memory_space<hbm>>) target(%dma_start3A_541 : memref<128x32xf32, #tpu.memory_space<vmem>>) offsets(%dma_start3A_543 : memref<128xi32, #tpu.memory_space<vmem>>) semaphore(%arg12 : memref<!tpu.dma_semaphore, #tpu.memory_space<semaphore_mem>>)
      %mul3A_547 = arith.constant 1664 : i32
      %mul3A_548 = arith.muli %add3A_426, %mul3A_547 : i32
      %add3A_549 = arith.addi %mul3A_2, %mul3A_548 : i32
      %multiple_of3A_550 = tpu.assume_multiple %add3A_549, 1664 : i32
      %dma_start3A_551 = arith.constant 0 : i32
      %dma_start3A_552 = tpu.memref_slice %arg5[%multiple_of3A_550, %dma_start3A_551] : memref<2129920x32xf32, #tpu.memory_space<hbm>> -> memref<1664x32xf32, #tpu.memory_space<hbm>>
      %dma_start3A_553 = arith.constant 0 : i32
      %dma_start3A_554 = tpu.memref_slice %arg5[%multiple_of3A_550, %dma_start3A_553] : memref<2129920x32xf32, #tpu.memory_space<hbm>> -> memref<1664x32xf32, #tpu.memory_space<hbm>>
      tpu.enqueue_dma source(%arg9 : memref<1664x32xf32, #tpu.memory_space<vmem>>) target(%dma_start3A_554 : memref<1664x32xf32, #tpu.memory_space<hbm>>) target_semaphore(%arg13 : memref<!tpu.dma_semaphore, #tpu.memory_space<semaphore_mem>>)
      %add3A_555 = arith.constant 2 : i32
      %add3A_556 = arith.addi %add3A_426, %add3A_555 : i32
      %rem3A_557 = arith.constant 40 : i32
      %rem3A_558 = arith.remsi %add3A_556, %rem3A_557 : i32
      %mul3A_559 = arith.constant 1664 : i32
      %mul3A_560 = arith.muli %rem3A_558, %mul3A_559 : i32
      %add3A_561 = arith.addi %mul3A_2, %mul3A_560 : i32
      %multiple_of3A_562 = tpu.assume_multiple %add3A_561, 1664 : i32
      "tpu.region"() ({
        %run_scoped3A = tpu.sem_alloc : memref<!tpu.dma_semaphore, #tpu.memory_space<semaphore_mem>>
        %dma_start3A_569 = tpu.memref_slice %arg2[%multiple_of3A_562] : memref<2129920xi32, #tpu.memory_space<hbm>> -> memref<1664xi32, #tpu.memory_space<hbm>>
        %dma_start3A_570 = tpu.memref_slice %arg2[%multiple_of3A_562] : memref<2129920xi32, #tpu.memory_space<hbm>> -> memref<1664xi32, #tpu.memory_space<hbm>>
        tpu.enqueue_dma source(%dma_start3A_570 : memref<1664xi32, #tpu.memory_space<hbm>>) target(%arg7 : memref<1664xi32, #tpu.memory_space<vmem>>) target_semaphore(%run_scoped3A : memref<!tpu.dma_semaphore, #tpu.memory_space<semaphore_mem>>)
        %dma_wait3A_571 = tpu.memref_slice %arg2[%multiple_of3A_562] : memref<2129920xi32, #tpu.memory_space<hbm>> -> memref<1664xi32, #tpu.memory_space<hbm>>
        %dma_wait3A_572 = tpu.memref_slice %arg2[%multiple_of3A_562] : memref<2129920xi32, #tpu.memory_space<hbm>> -> memref<1664xi32, #tpu.memory_space<hbm>>
        tpu.wait_dma2 semaphore(%run_scoped3A : memref<!tpu.dma_semaphore, #tpu.memory_space<semaphore_mem>>) src(%dma_wait3A_572 : memref<1664xi32, #tpu.memory_space<hbm>>) dst(%arg7 : memref<1664xi32, #tpu.memory_space<vmem>>)
        tpu.yield
      }) : () -> ()
      %scan3A_563 = arith.constant 0 : i32
      %scan3A_564 = arith.constant 0 : i32
      %scan3A_565 = arith.constant 104 : i32
      %scan3A_566 = arith.addi %scan3A_564, %scan3A_565 : i32
      %scan3A_567 = arith.constant 1 : i32
      scf.for %scan3A_569 = %scan3A_564 to %scan3A_566 step %scan3A_567  : i32 {
        %mul3A_570 = arith.constant 16 : i32
        %mul3A_571 = arith.muli %scan3A_569, %mul3A_570 : i32
        %get3A = arith.index_cast %mul3A_571 : i32 to index
        %get3A_572 = tpu.vector_load %arg7[%get3A] {strides = array<i32>} : memref<1664xi32, #tpu.memory_space<vmem>>, vector<16xi32>,
        %get3A_573 = vector.shape_cast %get3A_572 : vector<16xi32> to vector<16xi32>
        %get3A_574 = arith.index_cast %mul3A_571 : i32 to index
        %get3A_575 = tpu.vector_load %arg6[%get3A_574] {strides = array<i32>} : memref<1664xi32, #tpu.memory_space<vmem>>, vector<16xi32>,
        %get3A_576 = vector.shape_cast %get3A_575 : vector<16xi32> to vector<16xi32>
        %add3A_577 = arith.addi %get3A_573, %get3A_576 : vector<16xi32>
        %swap3A = arith.index_cast %mul3A_571 : i32 to index
        %swap3A_578 = tpu.vector_load %arg7[%swap3A] {strides = array<i32>} : memref<1664xi32, #tpu.memory_space<vmem>>, vector<16xi32>,
        %swap3A_579 = vector.shape_cast %swap3A_578 : vector<16xi32> to vector<16xi32>
        %swap3A_580 = vector.shape_cast %add3A_577 : vector<16xi32> to vector<16xi32>
        tpu.vector_store %arg7[%swap3A], %swap3A_580 {strides = array<i32>} : memref<1664xi32, #tpu.memory_space<vmem>>, vector<16xi32>,
      }
      %scan3A_568 = arith.constant 104 : i32
    }
    %scan3A_252 = arith.constant 19 : i32
    %dma_wait3A_253 = arith.constant 0 : i32
    %dma_wait3A_254 = arith.constant 0 : i32
    %dma_wait3A_255 = tpu.memref_slice %arg3[%dma_wait3A_253, %dma_wait3A_254] : memref<2600000x32xf32, #tpu.memory_space<hbm>> -> memref<1664x32xf32, #tpu.memory_space<hbm>>
    %dma_wait3A_256 = arith.constant 0 : i32
    %dma_wait3A_257 = arith.constant 0 : i32
    %dma_wait3A_258 = tpu.memref_slice %arg3[%dma_wait3A_256, %dma_wait3A_257] : memref<2600000x32xf32, #tpu.memory_space<hbm>> -> memref<1664x32xf32, #tpu.memory_space<hbm>>
    tpu.wait_dma2 semaphore(%arg12 : memref<!tpu.dma_semaphore, #tpu.memory_space<semaphore_mem>>) src(%dma_wait3A_258 : memref<1664x32xf32, #tpu.memory_space<hbm>>) dst(%arg10 : memref<1664x32xf32, #tpu.memory_space<vmem>>)
    %add3A_259 = arith.constant 63232 : i32
    %add3A_260 = arith.addi %mul3A_2, %add3A_259 : i32
    %multiple_of3A_261 = tpu.assume_multiple %add3A_260, 1664 : i32
    %dma_wait3A_262 = arith.constant 0 : i32
    %dma_wait3A_263 = tpu.memref_slice %arg5[%multiple_of3A_261, %dma_wait3A_262] : memref<2129920x32xf32, #tpu.memory_space<hbm>> -> memref<1664x32xf32, #tpu.memory_space<hbm>>
    %dma_wait3A_264 = arith.constant 0 : i32
    %dma_wait3A_265 = tpu.memref_slice %arg5[%multiple_of3A_261, %dma_wait3A_264] : memref<2129920x32xf32, #tpu.memory_space<hbm>> -> memref<1664x32xf32, #tpu.memory_space<hbm>>
    tpu.wait_dma2 semaphore(%arg13 : memref<!tpu.dma_semaphore, #tpu.memory_space<semaphore_mem>>) src(%arg9 : memref<1664x32xf32, #tpu.memory_space<vmem>>) dst(%dma_wait3A_265 : memref<1664x32xf32, #tpu.memory_space<hbm>>)
    %add3A_266 = arith.constant 64896 : i32
    %add3A_267 = arith.addi %mul3A_2, %add3A_266 : i32
    %multiple_of3A_268 = tpu.assume_multiple %add3A_267, 1664 : i32
    %dma_start3A_269 = arith.constant 0 : i32
    %dma_start3A_270 = tpu.memref_slice %arg5[%multiple_of3A_268, %dma_start3A_269] : memref<2129920x32xf32, #tpu.memory_space<hbm>> -> memref<1664x32xf32, #tpu.memory_space<hbm>>
    %dma_start3A_271 = arith.constant 0 : i32
    %dma_start3A_272 = tpu.memref_slice %arg5[%multiple_of3A_268, %dma_start3A_271] : memref<2129920x32xf32, #tpu.memory_space<hbm>> -> memref<1664x32xf32, #tpu.memory_space<hbm>>
    tpu.enqueue_dma source(%arg10 : memref<1664x32xf32, #tpu.memory_space<vmem>>) target(%dma_start3A_272 : memref<1664x32xf32, #tpu.memory_space<hbm>>) target_semaphore(%arg14 : memref<!tpu.dma_semaphore, #tpu.memory_space<semaphore_mem>>)
    %add3A_273 = arith.constant 64896 : i32
    %add3A_274 = arith.addi %mul3A_2, %add3A_273 : i32
    %multiple_of3A_275 = tpu.assume_multiple %add3A_274, 1664 : i32
    %dma_wait3A_276 = arith.constant 0 : i32
    %dma_wait3A_277 = tpu.memref_slice %arg5[%multiple_of3A_275, %dma_wait3A_276] : memref<2129920x32xf32, #tpu.memory_space<hbm>> -> memref<1664x32xf32, #tpu.memory_space<hbm>>
    %dma_wait3A_278 = arith.constant 0 : i32
    %dma_wait3A_279 = tpu.memref_slice %arg5[%multiple_of3A_275, %dma_wait3A_278] : memref<2129920x32xf32, #tpu.memory_space<hbm>> -> memref<1664x32xf32, #tpu.memory_space<hbm>>
    tpu.wait_dma2 semaphore(%arg14 : memref<!tpu.dma_semaphore, #tpu.memory_space<semaphore_mem>>) src(%arg10 : memref<1664x32xf32, #tpu.memory_space<vmem>>) dst(%dma_wait3A_279 : memref<1664x32xf32, #tpu.memory_space<hbm>>)
    return
  }
}

</mosaic_0001>

<sc_bundles>
// kernel: kernel.3.cloned.1.call-start
scs
__scs_entry_jumppad:
0x0: {  	(pc) =	sbr.rel $0x88, $3  }
0x1: {  	(tag) =	ssettag $0x0;
	lr =	simm.s32 $0x1  }
0x2: {  	[smem:$0x3F9F] =	sst lr;
	_ =	strace $0xD0000000  }
0x3: {  	_ = 	snop  }
0x4: {  	_ = 	snop  }
0x5: {  	_ = 	snop  }
0x6: {  	_ = 	snop  }
0x7: {  	_ = 	snop  }
__scs_overlays_trampoline_lowered:
0x8: {  	[smem:$0x3FAE] =	sst s0  }
0x9: {  	[smem:$0x3FAF] =	sst s1  }
0xa: {  	[smem:$0x3FB0] =	sst s2  }
0xb: {  	[smem:$0x3FB1] =	sst s3  }
0xc: {  	[smem:$0x3FB2] =	sst s4  }
0xd: {  	[smem:$0x3FB3] =	sst s5  }
0xe: {  	[smem:$0x3FB4] =	sst s6  }
0xf: {  	[smem:$0x3FB5] =	sst s7  }
0x10: {  	[smem:$0x3FB6] =	sst s8  }
0x11: {  	[smem:$0x3FB7] =	sst s9;
	s0 =	simm.s32 @!p0 $0x0  }
0x12: {  	s1 =	sld [smem:$0x3F9D];
	s0 =	simm.s32 @p0 $0x1  }
0x13: {  	[smem:$0x3FB8] =	sst s0;
	s0 =	simm.s32 @!p1 $0x0  }
0x14: {  	s2 =	sld [smem:$0x3F9C];
	s0 =	simm.s32 @p1 $0x1  }
0x15: {  	[smem:$0x3FB9] =	sst s0;
	s0 =	simm.s32 @!p2 $0x0  }
0x16: {  	s3 =	sld [smem:$0x3FDB];
	s0 =	simm.s32 @p2 $0x1  }
0x17: {  	s4 =	simm.s32 $0x1BF5;
	[smem:$0x3FBB] =	sst s0  }
0x18: {  	s0 =	sld [smem:$0x3F9E];
	_ =	swait.ge [sflag:s4], $0x0  }
0x19: {  	s7 =	sld [smem:$0x3F9F]  }
0x1a: {  	s8 =	sadd.s32 $0xFFFFE003, lr  }
0x1b: {  	s9 =	sadd.s32 $0xFFFFFEF7, lr;
	s5 =	simm.s32 $0xFFFFFFFF;
	p2 =	slt.u32 s8, $0xFFFFF086  }
0x1c: {  	p1 =	slt.u32 s9, $0xF7A;
	s5 =	simm.s32 @!p2 $0x0  }
0x1d: {  	s5 =	simm.s32 @p1 $0x1;
	p0 =	seq.s32 s7, s2  }
0x1e: {  	s7 =	smul.u32 @!p0 $0xF7A, s2;
	p2 =	seq.s32 @!p0 s5, $0x0  }
0x1f: {  	s9 =	smul.u32 $0xF7A, s1;
	s8 =	simm.s32 @!p0 $0x1BF5;
	p2 =	por !p2, p0  }
0x20: {  	[sflag:s8] =	ssyncset.s32 @!p0 $0xFFFFF086;
	s6 =	sadd.s32 @!p0 s3, s7;
	s7 =	simm.s32 @!p0 $0x108  }
0x21: {  	s3 =	sadd.s32 s3, s9;
	s6 =	sadd.s32 @!p0 $0x88, s6;
	s7 =	simm.s32 @p2 $0x1082  }
0x22: {  	[simem:s7], [sflag:s8] =	dma.local @!p0 [hbm:s6], $0xF7A  }
0x23: {  	s9 =	sor.u32 $0xD0000000, s2;
	s6 =	simm.s32 $0x108;
	_ =	swait.ge @!p0 [sflag:s8], $0x0  }
0x24: {  	s3 =	sadd.s32 $0x88, s3;
	s6 =	simm.s32 @!p1 $0x1082;
	[sflag:s4] =	ssyncset.s32 $0xFFFFF086  }
0x25: {  	[simem:s6], [sflag:s4] =	dma.local [hbm:s3], $0xF7A  }
0x26: {  	[smem:$0x3F9F] =	sst s1;
	(tag) =	ssettag s2;
	_ =	strace s9  }
0x27: {  	s1 =	sld [smem:$0x3FAF]  }
0x28: {  	s2 =	sld [smem:$0x3FB0]  }
0x29: {  	s4 =	sld [smem:$0x3FB2]  }
0x2a: {  	p0 =	seq.s32 s5, $0x0;
	s5 =	sld [smem:$0x3FB3]  }
0x2b: {  	s6 =	sld [smem:$0x3FB4]  }
0x2c: {  	s7 =	sld [smem:$0x3FB5]  }
0x2d: {  	s3 =	simm.s32 $0x108;
	s8 =	sld [smem:$0x3FB6]  }
0x2e: {  	s3 =	simm.s32 @!p0 $0x1082;
	s9 =	sld [smem:$0x3FB7]  }
0x2f: {  	lr =	sadd.s32 s0, s3;
	s0 =	sld [smem:$0x3FAE]  }
0x30: {  	s3 =	sld [smem:$0x3FB1]  }
0x31: {  	[smem:$0x3FBA] =	sst s10  }
0x32: {  	s10 =	sld [smem:$0x3FB8];
	_ =	sdelay $0x3  }
0x33: {  	p0 =	seq.s32 s10, $0x1;
	s10 =	sld [smem:$0x3FBA];
	_ =	sdelay $0x3  }
0x34: {  	[smem:$0x3FBA] =	sst s10  }
0x35: {  	s10 =	sld [smem:$0x3FB9];
	_ =	sdelay $0x3  }
0x36: {  	p1 =	seq.s32 s10, $0x1;
	s10 =	sld [smem:$0x3FBA];
	_ =	sdelay $0x3  }
0x37: {  	[smem:$0x3FBA] =	sst s10  }
0x38: {  	s10 =	sld [smem:$0x3FBB]  }
0x39: {  	_ = 	snop;
	(pc) =	sbr.ind lr, $3  }
0x3a: {  	_ = 	snop  }
0x3b: {  	_ = 	snop  }
0x3c: {  	p2 =	seq.s32 s10, $0x1;
	s10 =	sld [smem:$0x3FBA]  }
0x3d: {  	_ =	shalt  }
0x3e: {  	_ =	shalt  }
0x3f: {  	_ =	shalt  }
0x40: {  	_ =	shalt  }
0x41: {  	_ =	shalt  }
0x42: {  	_ =	shalt  }
0x43: {  	_ =	shalt  }
0x44: {  	_ =	shalt  }
0x45: {  	_ =	shalt  }
0x46: {  	_ =	shalt  }
0x47: {  	_ =	shalt  }
0x48: {  	_ =	shalt  }
0x49: {  	_ =	shalt  }
0x4a: {  	_ =	shalt  }
0x4b: {  	_ =	shalt  }
0x4c: {  	_ =	shalt  }
0x4d: {  	_ =	shalt  }
0x4e: {  	_ =	shalt  }
0x4f: {  	_ =	shalt  }
0x50: {  	_ =	shalt  }
0x51: {  	_ =	shalt  }
0x52: {  	_ =	shalt  }
0x53: {  	_ =	shalt  }
0x54: {  	_ =	shalt  }
0x55: {  	_ =	shalt  }
0x56: {  	_ =	shalt  }
0x57: {  	_ =	shalt  }
0x58: {  	_ =	shalt  }
0x59: {  	_ =	shalt  }
0x5a: {  	_ =	shalt  }
0x5b: {  	_ =	shalt  }
0x5c: {  	_ =	shalt  }
0x5d: {  	_ =	shalt  }
0x5e: {  	_ =	shalt  }
0x5f: {  	_ =	shalt  }
0x60: {  	_ =	shalt  }
0x61: {  	_ =	shalt  }
0x62: {  	_ =	shalt  }
0x63: {  	_ =	shalt  }
0x64: {  	_ =	shalt  }
0x65: {  	_ =	shalt  }
0x66: {  	_ =	shalt  }
0x67: {  	_ =	shalt  }
0x68: {  	_ =	shalt  }
0x69: {  	_ =	shalt  }
0x6a: {  	_ =	shalt  }
0x6b: {  	_ =	shalt  }
0x6c: {  	_ =	shalt  }
0x6d: {  	_ =	shalt  }
0x6e: {  	_ =	shalt  }
0x6f: {  	_ =	shalt  }
0x70: {  	_ =	shalt  }
0x71: {  	_ =	shalt  }
0x72: {  	_ =	shalt  }
0x73: {  	_ =	shalt  }
0x74: {  	_ =	shalt  }
0x75: {  	_ =	shalt  }
0x76: {  	_ =	shalt  }
0x77: {  	_ =	shalt  }
0x78: {  	_ =	shalt  }
0x79: {  	_ =	shalt  }
0x7a: {  	_ =	shalt  }
0x7b: {  	_ =	shalt  }
0x7c: {  	_ =	shalt  }
0x7d: {  	_ =	shalt  }
0x7e: {  	_ =	shalt  }
0x7f: {  	_ =	shalt  }
0x80: {  	_ =	shalt  }
0x81: {  	_ =	shalt  }
0x82: {  	_ =	shalt  }
0x83: {  	_ =	shalt  }
0x84: {  	_ =	shalt  }
0x85: {  	_ =	shalt  }
0x86: {  	_ =	shalt  }
0x87: {  	_ =	shalt  }
.Lfunc_end0:
.L_simem_size_0:
called_computation.1_lowered:
.L_overlay_start_0:
0x88: {  	s2 =	sld [smem:$0x3FD9]  }
0x89: {  	s3 =	sld [smem:$0x3FFE];
	_ =	sdelay $0x1  }
0x8a: {  	s1 =	srdreg.scid  }
0x8b: {  	s0 =	sand.u32 $0x1, s1  }
0x8c: {  	s17 =	sshll.u32 s0, $0xA;
	s2 =	sadd.s32 s3, s2  }
0x8d: {  	s2 =	sadd.s32 s2, s17  }
0x8e: {  	[smem:$0x3FC6] =	sst s2  }
0x8f: {  	_ = 	snop  }
0x90: {  	s2 =	sld [smem:$0x3FD0];
	(tm) =	ssettm $0x1  }
0x91: {  	s18 =	sld [smem:$0x3FFB];
	_ =	sdelay $0x3  }
0x92: {  	_ =	strace s18  }
0x93: {  	s3 =	sld [smem:$0x3FFC];
	_ =	sdelay $0x3  }
0x94: {  	_ =	strace s3  }
0x95: {  	s3 =	sld [smem:$0x3FFD];
	_ =	sdelay $0x3  }
0x96: {  	_ =	strace s3  }
0x97: {  	_ =	strace $0x8FFFFFFF  }
0x98: {  	s19 =	sld [smem:$0x3FDB];
	_ =	sdelay $0x1  }
0x99: {  	s4 =	simm.s32 $_scs_section_size  }
0x9a: {  	s5 =	simm.s32 $_size__tile_overlayer_lowered;
	s6 =	simm.s32 $_tile_overlayer_lowered  }
0x9b: {  	s22 =	simm.s32 $0x1BFF;
	s21 =	sshll.u32 s6, $0x1;
	s3 =	sadd.s32 s4, s19  }
0x9c: {  	s7 =	simm.s32 $0x0;
	s20 =	sshll.u32 s5, $0x1;
	s5 =	sadd.s32 s21, s3  }
0x9d: {  	[timem:s7], [sflag:s22] =	dma.local [hbm:s5], s20  }
0x9e: {  	_ =	swait.ge [sflag:s22], s20  }
0x9f: {  	s4 =	ssub.s32 $0x0, s20;
	[sflag:s22] =	ssyncset.done $0x0  }
0xa0: {  	[sflag:s22] =	ssyncadd.s32 s4;
	_ =	sdelay $0x1  }
0xa1: {  	s23 =	simm.s32 $0x1B8B  }
0xa2: {  	_ =	swait.ge [sflag:s23], $0x1  }
0xa3: {  	[sflag:s23] =	ssyncset.done $0x0  }
0xa4: {  	s25 =	simm.s32 $0x1B8E;
	s24 =	sld [smem:$0x3FFE];
	[sflag:s23] =	ssyncadd.s32 $0xFFFFFFFF  }
0xa5: {  	s26 =	simm.s32 $execute0_lowered;
	[smem:$0x3FD2] =	sst s25  }
0xa6: {  	s5 =	sshll.u32 s26, $0x1;
	_ =	strace $0x80000046;
	[dreg:$0x1] =	wrdreg $0xFFFFFFFF  }
0xa7: {  	s28 =	simm.s32 $_size_execute0_lowered;
	s3 =	sadd.s32 s3, s5;
	[dreg:$0x0] =	wrdreg $0x0  }
0xa8: {  	s5 =	sshll.u32 s28, $0x1;
	[dreg:$0x2] =	wrdreg s3  }
0xa9: {  	[dreg:$0x3] =	wrdreg s5  }
0xaa: {  	[dreg:$0x4] =	wrdreg $0xC0  }
0xab: {  	_ =	task [dreg:s7], $0x5FFFF  }
0xac: {  	[dreg:$0x1] =	wrdreg $0xFFFFFFFF  }
0xad: {  	[dreg:$0x0] =	wrdreg $0x60  }
0xae: {  	[dreg:$0x2] =	wrdreg s24  }
0xaf: {  	[dreg:$0x3] =	wrdreg s2  }
0xb0: {  	[dreg:$0x4] =	wrdreg $0x9  }
0xb1: {  	_ =	task.clear_ibuf [dreg:s7], $0x5FFFF;
	_ =	strace $0x90000046  }
0xb2: {  	s29 =	simm.s32 $0x9;
	_ =	strace $0x80000048  }
0xb3: {  	_ =	swait.ge [sflag:s29], $0x1  }
0xb4: {  	[sflag:s29] =	ssyncadd.s32 $0xFFFFFFFF  }
0xb5: {  	_ =	strace $0x90000048  }
0xb6: {  	_ =	sfence  }
0xb7: {  	s30 =	sld [smem:$0x0];
	_ =	sdelay $0x2  }
0xb8: {  	s31 =	sshll.u32 s1, $0xD;
	s1 =	sshrl.u32 s1, $0x2  }
0xb9: {  	s3 =	sand.u32 $0x4000, s31;
	s1 =	sadd.s32 s1, s30  }
0xba: {  	s0 =	sor.u32 s3, s0;
	s1 =	sshll.u32 s1, $0x11  }
0xbb: {  	s0 =	sor.u32 s1, s0  }
0xbc: {  	s0 =	sadd.s32 $0x8F2B, s0  }
0xbd: {  	[sflag:s0] =	ssyncadd.remote.s32 $0x1  }
0xbe: {  	_ =	sfence.sel $0xFFFF  }
0xbf: {  	[dreg:$0x0] =	wrdreg $0xFFFFFFFF;
	(pc) =	sbr.abs _section_cstart, $3  }
0xc0: {  	[dreg:$0x1] =	wrdreg $0xFFFFFFFF  }
0xc1: {  	_ =	task.clear_ibuf [dreg:s7], $0x2FFFF;
	_ =	strace $0x9FFFFFFF  }
0xc2: {  	(tm) =	ssettm $0x7FFFFFFF  }
0xc3: {  	_ =	shalt  }
tec
execute0_lowered:
.L_overlay_start_1:
0x0: {  	(tag) =	ssettag $0x1  }
0x1: {  	s0 =	rddreg [dreg:$0x0]  }
0x2: {  	s2 =	rddreg [dreg:$0x1];
	s12 =	simm.s32 $0x0  }
0x3: {  	s1 =	srdreg.scid;
	s3 =	stileid.u32;
	s17 =	simm.s32 $0x5  }
0x4: {  	s18 =	simm.s32 $0x680;
	s19 =	simm.s32 $0x80;
	s28 =	simm.s32 $0xE380  }
0x5: {  	s29 =	simm.s32 $0x17380;
	s30 =	simm.s32 $0x1200;
	s31 =	simm.s32 $0x18380  }
0x6: {  	s9 =	simm.s32 $0x1A380;
	s11 =	simm.s32 $0x2;
	s13 =	simm.s32 $0x3  }
0x7: {  	s15 =	simm.s32 $0x4;
	s16 =	simm.s32 $0x0;
	[smem:$0x7FF] =	sst s12  }
0x8: {  	s1 =	sand.u32 $0x1, s1;
	s3 =	sshll.u32 s3, $0x1;
	s4 =	sadd.s32 $0xC00, s0  }
0x9: {  	s6 =	sadd.s32 $0x27AD000, s0;
	s7 =	ssub.s32 $0x2, s1;
	s1 =	sor.u32 s1, s3  }
0xa: {  	s0 =	sadd.s32 $0xA00, s0;
	_ =	strace $0x80000047;
	s5 =	smul.u32 $0x10400, s1  }
0xb: {  	[dreg:$0x3] =	wrdreg s0;
	s20 =	sshrl.u32 s7, $0x1;
	s1 =	smul.u32 $0x41000, s1  }
0xc: {  	s21 =	ssub.s32 s7, s20;
	s20 =	simm.s32 $0x1380;
	s7 =	simm.s32 $0x1300  }
0xd: {  	s22 =	sshrl.u32 s5, $0x3;
	s8 =	sadd.s32 $0x680, s5;
	s10 =	sadd.s32 $0xD00, s5  }
0xe: {  	s24 =	sadd.s32 s2, s1;
	s14 =	sadd.s32 $0x1380, s5;
	s0 =	smax.u32 s21, $0x1  }
0xf: {  	s3 =	sadd.s32 s4, s22;
	s23 =	sshrl.u32 s8, $0x3;
	[dreg:$0x6] =	wrdreg s24  }
0x10: {  	s25 =	sshrl.u32 s10, $0x3;
	s26 =	sadd.s32 $0x3F600, s24;
	[dreg:$0x9] =	wrdreg s0  }
0x11: {  	s24 =	simm.s32 $0x1180;
	s0 =	simm.s32 $0x1280;
	[dreg:$0x4] =	wrdreg s3  }
0x12: {  	s3 =	sadd.s32 s4, s23;
	s1 =	sadd.s32 s4, s25;
	[dreg:$0x8] =	wrdreg s26  }
0x13: {  	s25 =	simm.s32 $0xD00;
	s26 =	simm.s32 $0x1;
	[dreg:$0x5] =	wrdreg s3  }
0x14: {  	s23 =	simm.s32 $0x16380;
	[dreg:$0x7] =	wrdreg s1;
	s1 =	simm.s32 $0x19380  }
.LBB2_1:
0x15: {  	[dreg:$0xa] =	wrdreg s16  }
0x16: {  	s3 =	rddreg [dreg:$0x3]  }
0x17: {  	[tilespmem:s12], [sflag:$0x5] =	stream.linear.gather [hbm4b:s3+s12], $0x680, $0x38;
	[tilespmem:$0x1B380] =	vst v63  }
0x18: {  	_ =	swait.ge [sflag:s17], $0x680  }
0x19: {  	[sflag:s17] =	ssyncset.done $0x0  }
0x1a: {  	s22 =	rddreg [dreg:$0x4];
	[sflag:s17] =	ssyncadd.s32 $0xFFFFF980  }
0x1b: {  	[tilespmem:s18], [sflag:$0x5] =	stream.linear.gather [hbm4b:s22+s12], $0x680, $0x38;
	[tilespmem:$0x1B380] =	vst v63  }
0x1c: {  	_ =	swait.ge [sflag:s17], $0x680  }
0x1d: {  	[sflag:s17] =	ssyncset.done $0x0  }
0x1e: {  	s12 =	simm.s32 $0x0;
	[sflag:s17] =	ssyncadd.s32 $0xFFFFF980  }
0x1f: {  	s3 =	simm.s32 $0x40;
	v0 =	vld [tilespmem:s12+$0x0]  }
.LBB2_2:
0x20: {  	p0 =	sne.s32 s3, $0x19C0;
	v1 =	vld [tilespmem:s12+$0x680];
	_ =	sdelay $0x1  }
.Ltmp0:
0x21: {  	(pc) =	sbr.rel @p0 .LBB2_2-.Ltmp0, $3  }
0x22: {  	_ =	sdelay $0x1  }
0x23: {  	s16 =	sshra.s32 s3, $0x2;
	v1 =	vadd.s32 v1, v0  }
0x24: {  	s3 =	sadd.s32 $0x40, s3;
	v0 =	vld [tilespmem:s16+$0x0];
	[tilespmem:s12+$0x680] =	vst v1;
	s12 =	smov.u32 s16  }
0x25: {  	v1 =	vld [tilespmem:s12+$0x680];
	_ =	sdelay $0x4  }
0x26: {  	v0 =	vadd.s32 v1, v0  }
0x27: {  	[tilespmem:s12+$0x680] =	vst v0  }
0x28: {  	[tilespmem:s20], [sflag:$0x1] =	stream.indirect.gather [hbm4b:s6+s19], $0x20, s18, s19, $0xb8;
	[tilespmem:$0x1B380] =	vst v63  }
0x29: {  	s3 =	simm.s32 $0x700;
	s22 =	simm.s32 $0x2380  }
0x2a: {  	[tilespmem:s22], [sflag:$0x1] =	stream.indirect.gather [hbm4b:s6+s19], $0x20, s3, s19, $0xb8;
	[tilespmem:$0x1B380] =	vst v63  }
0x2b: {  	s16 =	simm.s32 $0x3380;
	s12 =	simm.s32 $0x780  }
0x2c: {  	[tilespmem:s16], [sflag:$0x1] =	stream.indirect.gather [hbm4b:s6+s19], $0x20, s12, s19, $0xb8;
	[tilespmem:$0x1B380] =	vst v63  }
0x2d: {  	s21 =	simm.s32 $0x800;
	s22 =	simm.s32 $0x4380  }
0x2e: {  	[tilespmem:s22], [sflag:$0x1] =	stream.indirect.gather [hbm4b:s6+s19], $0x20, s21, s19, $0xb8;
	[tilespmem:$0x1B380] =	vst v63  }
0x2f: {  	s12 =	simm.s32 $0x880;
	s16 =	simm.s32 $0x5380  }
0x30: {  	[tilespmem:s16], [sflag:$0x1] =	stream.indirect.gather [hbm4b:s6+s19], $0x20, s12, s19, $0xb8;
	[tilespmem:$0x1B380] =	vst v63  }
0x31: {  	s21 =	simm.s32 $0x900;
	s22 =	simm.s32 $0x6380  }
0x32: {  	[tilespmem:s22], [sflag:$0x1] =	stream.indirect.gather [hbm4b:s6+s19], $0x20, s21, s19, $0xb8;
	[tilespmem:$0x1B380] =	vst v63  }
0x33: {  	s12 =	simm.s32 $0x980;
	s16 =	simm.s32 $0x7380  }
0x34: {  	[tilespmem:s16], [sflag:$0x1] =	stream.indirect.gather [hbm4b:s6+s19], $0x20, s12, s19, $0xb8;
	[tilespmem:$0x1B380] =	vst v63  }
0x35: {  	s21 =	simm.s32 $0xA00;
	s22 =	simm.s32 $0x8380  }
0x36: {  	[tilespmem:s22], [sflag:$0x1] =	stream.indirect.gather [hbm4b:s6+s19], $0x20, s21, s19, $0xb8;
	[tilespmem:$0x1B380] =	vst v63  }
0x37: {  	s12 =	simm.s32 $0xA80;
	s16 =	simm.s32 $0x9380  }
0x38: {  	[tilespmem:s16], [sflag:$0x1] =	stream.indirect.gather [hbm4b:s6+s19], $0x20, s12, s19, $0xb8;
	[tilespmem:$0x1B380] =	vst v63  }
0x39: {  	s21 =	simm.s32 $0xB00;
	s22 =	simm.s32 $0xA380  }
0x3a: {  	[tilespmem:s22], [sflag:$0x1] =	stream.indirect.gather [hbm4b:s6+s19], $0x20, s21, s19, $0xb8;
	[tilespmem:$0x1B380] =	vst v63  }
0x3b: {  	s12 =	simm.s32 $0xB80;
	s16 =	simm.s32 $0xB380  }
0x3c: {  	[tilespmem:s16], [sflag:$0x1] =	stream.indirect.gather [hbm4b:s6+s19], $0x20, s12, s19, $0xb8;
	[tilespmem:$0x1B380] =	vst v63  }
0x3d: {  	s21 =	simm.s32 $0xC00;
	s22 =	simm.s32 $0xC380  }
0x3e: {  	[tilespmem:s22], [sflag:$0x1] =	stream.indirect.gather [hbm4b:s6+s19], $0x20, s21, s19, $0xb8;
	[tilespmem:$0x1B380] =	vst v63  }
0x3f: {  	s12 =	simm.s32 $0xC80;
	s16 =	simm.s32 $0xD380  }
0x40: {  	[tilespmem:s16], [sflag:$0x1] =	stream.indirect.gather [hbm4b:s6+s19], $0x20, s12, s19, $0xb8;
	[tilespmem:$0x1B380] =	vst v63  }
0x41: {  	s21 =	simm.s32 $0x0;
	s22 =	rddreg [dreg:$0x5]  }
0x42: {  	[tilespmem:s25], [sflag:$0x5] =	stream.linear.gather [hbm4b:s22+s21], $0x680, $0x38;
	[tilespmem:$0x1B380] =	vst v63  }
0x43: {  	_ =	swait.ge [sflag:s17], $0x680  }
0x44: {  	[sflag:s17] =	ssyncset.done $0x0  }
0x45: {  	s12 =	simm.s32 $0x0;
	[sflag:s17] =	ssyncadd.s32 $0xFFFFF980  }
0x46: {  	s3 =	simm.s32 $0x40;
	v0 =	vld [tilespmem:s12+$0x0]  }
.LBB2_4:
0x47: {  	p0 =	sne.s32 s3, $0x19C0;
	v1 =	vld [tilespmem:s12+$0xD00];
	_ =	sdelay $0x1  }
.Ltmp1:
0x48: {  	(pc) =	sbr.rel @p0 .LBB2_4-.Ltmp1, $3  }
0x49: {  	_ =	sdelay $0x1  }
0x4a: {  	s16 =	sshra.s32 s3, $0x2;
	v1 =	vadd.s32 v1, v0  }
0x4b: {  	s3 =	sadd.s32 $0x40, s3;
	v0 =	vld [tilespmem:s16+$0x0];
	[tilespmem:s12+$0xD00] =	vst v1;
	s12 =	smov.u32 s16  }
0x4c: {  	v1 =	vld [tilespmem:s12+$0xD00];
	_ =	sdelay $0x4  }
0x4d: {  	v0 =	vadd.s32 v1, v0  }
0x4e: {  	[tilespmem:s12+$0xD00] =	vst v0  }
0x4f: {  	_ =	swait.ge [sflag:s26], $0xD000  }
0x50: {  	[sflag:s26] =	ssyncset.done $0x0  }
0x51: {  	[sflag:s26] =	ssyncadd.s32 $0xFFFF3000  }
0x52: {  	[tilespmem:s28], [sflag:$0x2] =	stream.indirect.gather [hbm4b:s6+s19], $0x20, s25, s19, $0xb8;
	[tilespmem:$0x1B380] =	vst v63  }
0x53: {  	s3 =	simm.s32 $0xD80;
	s22 =	simm.s32 $0xF380  }
0x54: {  	[tilespmem:s22], [sflag:$0x2] =	stream.indirect.gather [hbm4b:s6+s19], $0x20, s3, s19, $0xb8;
	[tilespmem:$0x1B380] =	vst v63  }
0x55: {  	s16 =	simm.s32 $0x10380;
	s12 =	simm.s32 $0xE00  }
0x56: {  	[tilespmem:s16], [sflag:$0x2] =	stream.indirect.gather [hbm4b:s6+s19], $0x20, s12, s19, $0xb8;
	[tilespmem:$0x1B380] =	vst v63  }
0x57: {  	s21 =	simm.s32 $0xE80;
	s22 =	simm.s32 $0x11380  }
0x58: {  	[tilespmem:s22], [sflag:$0x2] =	stream.indirect.gather [hbm4b:s6+s19], $0x20, s21, s19, $0xb8;
	[tilespmem:$0x1B380] =	vst v63  }
0x59: {  	s12 =	simm.s32 $0xF00;
	s16 =	simm.s32 $0x12380  }
0x5a: {  	[tilespmem:s16], [sflag:$0x2] =	stream.indirect.gather [hbm4b:s6+s19], $0x20, s12, s19, $0xb8;
	[tilespmem:$0x1B380] =	vst v63  }
0x5b: {  	s21 =	simm.s32 $0xF80;
	s22 =	simm.s32 $0x13380  }
0x5c: {  	[tilespmem:s22], [sflag:$0x2] =	stream.indirect.gather [hbm4b:s6+s19], $0x20, s21, s19, $0xb8;
	[tilespmem:$0x1B380] =	vst v63  }
0x5d: {  	s12 =	simm.s32 $0x1000;
	s16 =	simm.s32 $0x14380  }
0x5e: {  	[tilespmem:s16], [sflag:$0x2] =	stream.indirect.gather [hbm4b:s6+s19], $0x20, s12, s19, $0xb8;
	[tilespmem:$0x1B380] =	vst v63  }
0x5f: {  	s21 =	simm.s32 $0x1080;
	s22 =	simm.s32 $0x15380  }
0x60: {  	[tilespmem:s22], [sflag:$0x2] =	stream.indirect.gather [hbm4b:s6+s19], $0x20, s21, s19, $0xb8;
	[tilespmem:$0x1B380] =	vst v63  }
0x61: {  	s16 =	simm.s32 $0x1100  }
0x62: {  	[tilespmem:s23], [sflag:$0x2] =	stream.indirect.gather [hbm4b:s6+s19], $0x20, s16, s19, $0xb8;
	[tilespmem:$0x1B380] =	vst v63  }
0x63: {  	_ = 	snop  }
0x64: {  	[tilespmem:s29], [sflag:$0x2] =	stream.indirect.gather [hbm4b:s6+s19], $0x20, s24, s19, $0xb8;
	[tilespmem:$0x1B380] =	vst v63  }
0x65: {  	_ = 	snop  }
0x66: {  	[tilespmem:s31], [sflag:$0x2] =	stream.indirect.gather [hbm4b:s6+s19], $0x20, s30, s19, $0xb8;
	[tilespmem:$0x1B380] =	vst v63  }
0x67: {  	_ = 	snop  }
0x68: {  	[tilespmem:s1], [sflag:$0x2] =	stream.indirect.gather [hbm4b:s6+s19], $0x20, s0, s19, $0xb8;
	[tilespmem:$0x1B380] =	vst v63  }
0x69: {  	_ = 	snop  }
0x6a: {  	[tilespmem:s9], [sflag:$0x2] =	stream.indirect.gather [hbm4b:s6+s19], $0x20, s7, s19, $0xb8;
	[tilespmem:$0x1B380] =	vst v63  }
0x6b: {  	s21 =	rddreg [dreg:$0x6];
	s16 =	simm.s32 $0x0  }
0x6c: {  	[hbm4b:s21+s16] =	stream.linear.scatter [tilespmem:s20], [sflag:$0x3], $0xD000, $0x38;
	[tilespmem:$0x1B380] =	vst v63  }
0x6d: {  	s22 =	rddreg [dreg:$0x7]  }
0x6e: {  	[tilespmem:s18], [sflag:$0x5] =	stream.linear.gather [hbm4b:s22+s16], $0x680, $0x38;
	[tilespmem:$0x1B380] =	vst v63  }
0x6f: {  	_ =	swait.ge [sflag:s17], $0x680  }
0x70: {  	[sflag:s17] =	ssyncset.done $0x0  }
0x71: {  	s12 =	simm.s32 $0x0;
	[sflag:s17] =	ssyncadd.s32 $0xFFFFF980  }
0x72: {  	s3 =	simm.s32 $0x40;
	v0 =	vld [tilespmem:s12+$0x0]  }
.LBB2_6:
0x73: {  	p0 =	sne.s32 s3, $0x19C0;
	v1 =	vld [tilespmem:s12+$0x680];
	_ =	sdelay $0x1  }
.Ltmp2:
0x74: {  	(pc) =	sbr.rel @p0 .LBB2_6-.Ltmp2, $3  }
0x75: {  	_ =	sdelay $0x1  }
0x76: {  	s21 =	sshra.s32 s3, $0x2;
	v1 =	vadd.s32 v1, v0  }
0x77: {  	s3 =	sadd.s32 $0x40, s3;
	v0 =	vld [tilespmem:s21+$0x0];
	[tilespmem:s12+$0x680] =	vst v1;
	s12 =	smov.u32 s21  }
0x78: {  	v1 =	vld [tilespmem:s12+$0x680];
	_ =	sdelay $0x4  }
0x79: {  	v0 =	vadd.s32 v1, v0  }
0x7a: {  	[tilespmem:s12+$0x680] =	vst v0  }
.LBB2_8:
0x7b: {  	_ =	swait.ge [sflag:s11], $0xD000  }
0x7c: {  	[sflag:s11] =	ssyncset.done $0x0  }
0x7d: {  	[sflag:s11] =	ssyncadd.s32 $0xFFFF3000  }
0x7e: {  	_ =	swait.ge [sflag:s13], $0xD000  }
0x7f: {  	[sflag:s13] =	ssyncset.done $0x0  }
0x80: {  	[sflag:s13] =	ssyncadd.s32 $0xFFFF3000  }
0x81: {  	[tilespmem:s20], [sflag:$0x1] =	stream.indirect.gather [hbm4b:s6+s19], $0x20, s18, s19, $0xb8;
	[tilespmem:$0x1B380] =	vst v63  }
0x82: {  	s3 =	simm.s32 $0x700;
	s12 =	simm.s32 $0x2380  }
0x83: {  	[tilespmem:s12], [sflag:$0x1] =	stream.indirect.gather [hbm4b:s6+s19], $0x20, s3, s19, $0xb8;
	[tilespmem:$0x1B380] =	vst v63  }
0x84: {  	s21 =	simm.s32 $0x780;
	s22 =	simm.s32 $0x3380  }
0x85: {  	[tilespmem:s22], [sflag:$0x1] =	stream.indirect.gather [hbm4b:s6+s19], $0x20, s21, s19, $0xb8;
	[tilespmem:$0x1B380] =	vst v63  }
0x86: {  	s21 =	simm.s32 $0x800;
	s22 =	simm.s32 $0x4380  }
0x87: {  	[tilespmem:s22], [sflag:$0x1] =	stream.indirect.gather [hbm4b:s6+s19], $0x20, s21, s19, $0xb8;
	[tilespmem:$0x1B380] =	vst v63  }
0x88: {  	s21 =	simm.s32 $0x880;
	s22 =	simm.s32 $0x5380  }
0x89: {  	[tilespmem:s22], [sflag:$0x1] =	stream.indirect.gather [hbm4b:s6+s19], $0x20, s21, s19, $0xb8;
	[tilespmem:$0x1B380] =	vst v63  }
0x8a: {  	s21 =	simm.s32 $0x900;
	s22 =	simm.s32 $0x6380  }
0x8b: {  	[tilespmem:s22], [sflag:$0x1] =	stream.indirect.gather [hbm4b:s6+s19], $0x20, s21, s19, $0xb8;
	[tilespmem:$0x1B380] =	vst v63  }
0x8c: {  	s21 =	simm.s32 $0x980;
	s22 =	simm.s32 $0x7380  }
0x8d: {  	[tilespmem:s22], [sflag:$0x1] =	stream.indirect.gather [hbm4b:s6+s19], $0x20, s21, s19, $0xb8;
	[tilespmem:$0x1B380] =	vst v63  }
0x8e: {  	s21 =	simm.s32 $0xA00;
	s22 =	simm.s32 $0x8380  }
0x8f: {  	[tilespmem:s22], [sflag:$0x1] =	stream.indirect.gather [hbm4b:s6+s19], $0x20, s21, s19, $0xb8;
	[tilespmem:$0x1B380] =	vst v63  }
0x90: {  	s21 =	simm.s32 $0xA80;
	s22 =	simm.s32 $0x9380  }
0x91: {  	[tilespmem:s22], [sflag:$0x1] =	stream.indirect.gather [hbm4b:s6+s19], $0x20, s21, s19, $0xb8;
	[tilespmem:$0x1B380] =	vst v63  }
0x92: {  	s21 =	simm.s32 $0xB00;
	s22 =	simm.s32 $0xA380  }
0x93: {  	[tilespmem:s22], [sflag:$0x1] =	stream.indirect.gather [hbm4b:s6+s19], $0x20, s21, s19, $0xb8;
	[tilespmem:$0x1B380] =	vst v63  }
0x94: {  	s21 =	simm.s32 $0xB80;
	s22 =	simm.s32 $0xB380  }
0x95: {  	[tilespmem:s22], [sflag:$0x1] =	stream.indirect.gather [hbm4b:s6+s19], $0x20, s21, s19, $0xb8;
	[tilespmem:$0x1B380] =	vst v63  }
0x96: {  	s12 =	simm.s32 $0xC00;
	s21 =	simm.s32 $0xC380  }
0x97: {  	[tilespmem:s21], [sflag:$0x1] =	stream.indirect.gather [hbm4b:s6+s19], $0x20, s12, s19, $0xb8;
	[tilespmem:$0x1B380] =	vst v63  }
0x98: {  	s22 =	simm.s32 $0xC80;
	s12 =	smul.u32 $0xD00, s16;
	s21 =	simm.s32 $0xD380  }
0x99: {  	[tilespmem:s21], [sflag:$0x1] =	stream.indirect.gather [hbm4b:s6+s19], $0x20, s22, s19, $0xb8;
	[tilespmem:$0x1B380] =	vst v63  }
0x9a: {  	s21 =	sadd.s32 s12, s8  }
0x9b: {  	s3 =	sshll.u32 s21, $0x2  }
0x9c: {  	s3 =	sand.u32 $0x1FFFFE00, s3  }
0x9d: {  	s22 =	sadd.s32 s12, s14;
	s21 =	simm.s32 $0x0;
	s3 =	sadd.s32 s2, s3  }
0x9e: {  	[hbm4b:s3+s21] =	stream.linear.scatter [tilespmem:s28], [sflag:$0x4], $0xD000, $0x38;
	[tilespmem:$0x1B380] =	vst v63  }
0x9f: {  	s3 =	sshrl.u32 s22, $0x3  }
0xa0: {  	s3 =	sadd.s32 s4, s3  }
0xa1: {  	[tilespmem:s25], [sflag:$0x5] =	stream.linear.gather [hbm4b:s3+s21], $0x680, $0x38;
	[tilespmem:$0x1B380] =	vst v63  }
0xa2: {  	_ =	swait.ge [sflag:s17], $0x680  }
0xa3: {  	[sflag:s17] =	ssyncset.done $0x0  }
0xa4: {  	s3 =	simm.s32 $0x0;
	[sflag:s17] =	ssyncadd.s32 $0xFFFFF980  }
0xa5: {  	s21 =	simm.s32 $0x40;
	v0 =	vld [tilespmem:s3+$0x0]  }
.LBB2_9:
0xa6: {  	p0 =	sne.s32 s21, $0x19C0;
	v1 =	vld [tilespmem:s3+$0xD00];
	_ =	sdelay $0x1  }
.Ltmp3:
0xa7: {  	(pc) =	sbr.rel @p0 .LBB2_9-.Ltmp3, $3  }
0xa8: {  	_ =	sdelay $0x1  }
0xa9: {  	s22 =	sshra.s32 s21, $0x2;
	v1 =	vadd.s32 v1, v0  }
0xaa: {  	s21 =	sadd.s32 $0x40, s21;
	v0 =	vld [tilespmem:s22+$0x0];
	[tilespmem:s3+$0xD00] =	vst v1;
	s3 =	smov.u32 s22  }
0xab: {  	v1 =	vld [tilespmem:s3+$0xD00];
	_ =	sdelay $0x4  }
0xac: {  	v0 =	vadd.s32 v1, v0  }
0xad: {  	[tilespmem:s3+$0xD00] =	vst v0  }
0xae: {  	_ =	swait.ge [sflag:s26], $0xD000  }
0xaf: {  	[sflag:s26] =	ssyncset.done $0x0  }
0xb0: {  	[sflag:s26] =	ssyncadd.s32 $0xFFFF3000  }
0xb1: {  	_ =	swait.ge [sflag:s15], $0xD000  }
0xb2: {  	[sflag:s15] =	ssyncset.done $0x0  }
0xb3: {  	[sflag:s15] =	ssyncadd.s32 $0xFFFF3000  }
0xb4: {  	[tilespmem:s28], [sflag:$0x2] =	stream.indirect.gather [hbm4b:s6+s19], $0x20, s25, s19, $0xb8;
	[tilespmem:$0x1B380] =	vst v63  }
0xb5: {  	s22 =	simm.s32 $0xD80;
	s21 =	simm.s32 $0xF380  }
0xb6: {  	[tilespmem:s21], [sflag:$0x2] =	stream.indirect.gather [hbm4b:s6+s19], $0x20, s22, s19, $0xb8;
	[tilespmem:$0x1B380] =	vst v63  }
0xb7: {  	s21 =	simm.s32 $0xE00;
	s22 =	simm.s32 $0x10380  }
0xb8: {  	[tilespmem:s22], [sflag:$0x2] =	stream.indirect.gather [hbm4b:s6+s19], $0x20, s21, s19, $0xb8;
	[tilespmem:$0x1B380] =	vst v63  }
0xb9: {  	s21 =	simm.s32 $0xE80;
	s22 =	simm.s32 $0x11380  }
0xba: {  	[tilespmem:s22], [sflag:$0x2] =	stream.indirect.gather [hbm4b:s6+s19], $0x20, s21, s19, $0xb8;
	[tilespmem:$0x1B380] =	vst v63  }
0xbb: {  	s21 =	simm.s32 $0xF00;
	s22 =	simm.s32 $0x12380  }
0xbc: {  	[tilespmem:s22], [sflag:$0x2] =	stream.indirect.gather [hbm4b:s6+s19], $0x20, s21, s19, $0xb8;
	[tilespmem:$0x1B380] =	vst v63  }
0xbd: {  	s21 =	simm.s32 $0xF80;
	s22 =	simm.s32 $0x13380  }
0xbe: {  	[tilespmem:s22], [sflag:$0x2] =	stream.indirect.gather [hbm4b:s6+s19], $0x20, s21, s19, $0xb8;
	[tilespmem:$0x1B380] =	vst v63  }
0xbf: {  	s21 =	simm.s32 $0x1000;
	s22 =	simm.s32 $0x14380  }
0xc0: {  	[tilespmem:s22], [sflag:$0x2] =	stream.indirect.gather [hbm4b:s6+s19], $0x20, s21, s19, $0xb8;
	[tilespmem:$0x1B380] =	vst v63  }
0xc1: {  	s21 =	simm.s32 $0x1080;
	s22 =	simm.s32 $0x15380  }
0xc2: {  	[tilespmem:s22], [sflag:$0x2] =	stream.indirect.gather [hbm4b:s6+s19], $0x20, s21, s19, $0xb8;
	[tilespmem:$0x1B380] =	vst v63  }
0xc3: {  	s22 =	simm.s32 $0x1100  }
0xc4: {  	[tilespmem:s23], [sflag:$0x2] =	stream.indirect.gather [hbm4b:s6+s19], $0x20, s22, s19, $0xb8;
	[tilespmem:$0x1B380] =	vst v63  }
0xc5: {  	s22 =	sshll.u32 s16, $0x1  }
0xc6: {  	[tilespmem:s29], [sflag:$0x2] =	stream.indirect.gather [hbm4b:s6+s19], $0x20, s24, s19, $0xb8;
	[tilespmem:$0x1B380] =	vst v63  }
0xc7: {  	s21 =	sadd.s32 s12, s10;
	s22 =	sadd.s32 $0x4, s22  }
0xc8: {  	[tilespmem:s31], [sflag:$0x2] =	stream.indirect.gather [hbm4b:s6+s19], $0x20, s30, s19, $0xb8;
	[tilespmem:$0x1B380] =	vst v63  }
0xc9: {  	s3 =	sshll.u32 s21, $0x2;
	s12 =	smul.u32 $0x680, s22;
	p0 =	seq.s32 s22, $0x28  }
0xca: {  	[tilespmem:s1], [sflag:$0x2] =	stream.indirect.gather [hbm4b:s6+s19], $0x20, s0, s19, $0xb8;
	[tilespmem:$0x1B380] =	vst v63  }
0xcb: {  	s3 =	sand.u32 $0x1FFFFC00, s3;
	s12 =	simm.s32 @p0 $0x0  }
0xcc: {  	[tilespmem:s9], [sflag:$0x2] =	stream.indirect.gather [hbm4b:s6+s19], $0x20, s7, s19, $0xb8;
	[tilespmem:$0x1B380] =	vst v63  }
0xcd: {  	s21 =	simm.s32 $0x0;
	s3 =	sadd.s32 s2, s3;
	s22 =	sadd.s32 s5, s12  }
0xce: {  	[hbm4b:s3+s21] =	stream.linear.scatter [tilespmem:s20], [sflag:$0x3], $0xD000, $0x38;
	[tilespmem:$0x1B380] =	vst v63  }
0xcf: {  	s3 =	sshrl.u32 s22, $0x3  }
0xd0: {  	s3 =	sadd.s32 s4, s3  }
0xd1: {  	[tilespmem:s18], [sflag:$0x5] =	stream.linear.gather [hbm4b:s3+s21], $0x680, $0x38;
	[tilespmem:$0x1B380] =	vst v63  }
0xd2: {  	_ =	swait.ge [sflag:s17], $0x680  }
0xd3: {  	[sflag:s17] =	ssyncset.done $0x0  }
0xd4: {  	s12 =	simm.s32 $0x0;
	[sflag:s17] =	ssyncadd.s32 $0xFFFFF980  }
0xd5: {  	s3 =	simm.s32 $0x40;
	v0 =	vld [tilespmem:s12+$0x0]  }
.LBB2_11:
0xd6: {  	p0 =	sne.s32 s3, $0x19C0;
	v1 =	vld [tilespmem:s12+$0x680];
	_ =	sdelay $0x1  }
.Ltmp4:
0xd7: {  	(pc) =	sbr.rel @p0 .LBB2_11-.Ltmp4, $3  }
0xd8: {  	_ =	sdelay $0x1  }
0xd9: {  	s21 =	sshra.s32 s3, $0x2;
	v1 =	vadd.s32 v1, v0  }
0xda: {  	s3 =	sadd.s32 $0x40, s3;
	v0 =	vld [tilespmem:s21+$0x0];
	[tilespmem:s12+$0x680] =	vst v1;
	s12 =	smov.u32 s21  }
0xdb: {  	v1 =	vld [tilespmem:s12+$0x680];
	s16 =	sadd.s32 $0x1, s16  }
0xdc: {  	p0 =	sne.s32 s16, $0x13  }
.Ltmp5:
0xdd: {  	_ = 	snop;
	(pc) =	sbr.rel @p0 .LBB2_8-.Ltmp5, $3  }
0xde: {  	_ =	sdelay $0x1  }
0xdf: {  	v0 =	vadd.s32 v1, v0  }
0xe0: {  	[tilespmem:s12+$0x680] =	vst v0  }
0xe1: {  	_ =	swait.ge [sflag:s11], $0xD000  }
0xe2: {  	[sflag:s11] =	ssyncset.done $0x0  }
0xe3: {  	[sflag:s11] =	ssyncadd.s32 $0xFFFF3000  }
0xe4: {  	_ =	swait.ge [sflag:s13], $0xD000  }
0xe5: {  	[sflag:s13] =	ssyncset.done $0x0  }
0xe6: {  	s12 =	simm.s32 $0x0;
	s3 =	rddreg [dreg:$0x8];
	[sflag:s13] =	ssyncadd.s32 $0xFFFF3000  }
0xe7: {  	[hbm4b:s3+s12] =	stream.linear.scatter [tilespmem:s28], [sflag:$0x4], $0xD000, $0x38;
	[tilespmem:$0x1B380] =	vst v63  }
0xe8: {  	_ =	swait.ge [sflag:s15], $0xD000  }
0xe9: {  	s16 =	rddreg [dreg:$0xa]  }
0xea: {  	s22 =	rddreg [dreg:$0x9];
	s16 =	sadd.s32 $0x1, s16  }
0xeb: {  	p0 =	sne.s32 s16, s22  }
.Ltmp6:
0xec: {  	_ = 	snop;
	(pc) =	sbr.rel @p0 .LBB2_1-.Ltmp6, $3  }
0xed: {  	_ =	sdelay $0x1  }
0xee: {  	[sflag:s15] =	ssyncset.done $0x0  }
0xef: {  	[sflag:s15] =	ssyncadd.s32 $0xFFFF3000  }
0xf0: {  	_ =	sfence.sel $0x180000  }
0xf1: {  	[bflag:$0x0] =	sbarrier.arrive $0xFFFF  }
0xf2: {  	_ =	strace $0x90000047  }
0xf3: {  	s0 =	stileid.u32;
	[bflag:$0x2] =	sbarrier.arrive $0xFFFF  }
0xf4: {  	p0 =	sne.s32 s0, $0x0;
	s0 =	rddreg [dreg:$0x2]  }
0xf5: {  	s0 =	sadd.s32 @!p0 $0x100000, s0  }
0xf6: {  	[sflag:s0] =	ssyncadd.tile.s32 @!p0 $0x1;
	_ =	shalt  }
.Lfunc_end2:
_tile_overlayer_lowered:
.L_overlay_start_2:
0xf7: {  	(tag) =	ssettag $0x2  }
0xf8: {  	s0 =	rddreg [dreg:$0x0];
	s2 =	stileid.u32  }
0xf9: {  	s1 =	rddreg [dreg:$0x1];
	p0 =	sne.s32 s2, $0x0  }
0xfa: {  	s3 =	rddreg [dreg:$0x2];
	[bflag:$0x3] =	sbarrier.arrive $0xFFFF;
	s2 =	simm.s32 @!p0 $0x1C05  }
0xfb: {  	[timem:s3], [sflag:s2] =	dma.local @!p0 [hbm:s0], s1  }
0xfc: {  	s0 =	simm.s32 @!p0 $0x5  }
0xfd: {  	_ =	swait.ge @!p0 [sflag:s0], s1  }
0xfe: {  	s1 =	ssub.s32 @!p0 $0x0, s1;
	[sflag:s0] =	ssyncset.done @!p0 $0x0  }
0xff: {  	[sflag:s0] =	ssyncadd.s32 @!p0 s1  }
0x100: {  	[bflag:$0x3] =	sbarrier.arrive $0xFFFF  }
0x101: {  	_ =	shalt  }

// kernel: sparse-core-data-format-call.cloned.1.call-start
scs
called_computation_lowered:
.L_overlay_start_0:
0x0: {  	s2 =	sld [smem:$0x3FD9]  }
0x1: {  	s3 =	sld [smem:$0x3FFE];
	_ =	sdelay $0x1  }
0x2: {  	s1 =	srdreg.scid  }
0x3: {  	s0 =	sand.u32 $0x1, s1  }
0x4: {  	s18 =	sshll.u32 s0, $0xA;
	s2 =	sadd.s32 s3, s2  }
0x5: {  	s2 =	sadd.s32 s2, s18  }
0x6: {  	[smem:$0x3FC6] =	sst s2  }
0x7: {  	_ = 	snop  }
0x8: {  	s2 =	sld [smem:$0x3FD0];
	(tm) =	ssettm $0x1  }
0x9: {  	s19 =	sld [smem:$0x3FFB];
	_ =	sdelay $0x3  }
0xa: {  	_ =	strace s19  }
0xb: {  	s3 =	sld [smem:$0x3FFC];
	_ =	sdelay $0x3  }
0xc: {  	_ =	strace s3  }
0xd: {  	s3 =	sld [smem:$0x3FFD];
	_ =	sdelay $0x3  }
0xe: {  	_ =	strace s3  }
0xf: {  	_ =	strace $0x8FFFFFFF  }
0x10: {  	s20 =	sld [smem:$0x3FDB];
	_ =	sdelay $0x1  }
0x11: {  	s4 =	simm.s32 $_scs_section_size  }
0x12: {  	s5 =	simm.s32 $_size__tile_overlayer_lowered;
	s6 =	simm.s32 $_tile_overlayer_lowered  }
0x13: {  	s23 =	simm.s32 $0x1BFF;
	s22 =	sshll.u32 s6, $0x1;
	s3 =	sadd.s32 s4, s20  }
0x14: {  	s7 =	simm.s32 $0x0;
	s21 =	sshll.u32 s5, $0x1;
	s5 =	sadd.s32 s22, s3  }
0x15: {  	[timem:s7], [sflag:s23] =	dma.local [hbm:s5], s21  }
0x16: {  	_ =	swait.ge [sflag:s23], s21  }
0x17: {  	s4 =	ssub.s32 $0x0, s21;
	[sflag:s23] =	ssyncset.done $0x0  }
0x18: {  	[sflag:s23] =	ssyncadd.s32 s4;
	_ =	sdelay $0x1  }
0x19: {  	s24 =	simm.s32 $0x1B8B  }
0x1a: {  	_ =	swait.ge [sflag:s24], $0x1  }
0x1b: {  	[sflag:s24] =	ssyncset.done $0x0  }
0x1c: {  	s26 =	simm.s32 $0x1B8E;
	s25 =	sld [smem:$0x3FFE];
	[sflag:s24] =	ssyncadd.s32 $0xFFFFFFFF  }
0x1d: {  	s27 =	simm.s32 $execute0_lowered;
	[smem:$0x3FD2] =	sst s26  }
0x1e: {  	s5 =	sshll.u32 s27, $0x1;
	_ =	strace $0x80000049;
	[dreg:$0x1] =	wrdreg $0xFFFFFFFF  }
0x1f: {  	s28 =	simm.s32 $_size_execute0_lowered;
	s3 =	sadd.s32 s3, s5;
	[dreg:$0x0] =	wrdreg $0x0  }
0x20: {  	s5 =	sshll.u32 s28, $0x1;
	[dreg:$0x2] =	wrdreg s3  }
0x21: {  	[dreg:$0x3] =	wrdreg s5  }
0x22: {  	[dreg:$0x4] =	wrdreg $0xC0  }
0x23: {  	_ =	task [dreg:s7], $0x5FFFF  }
0x24: {  	[dreg:$0x1] =	wrdreg $0xFFFFFFFF  }
0x25: {  	[dreg:$0x0] =	wrdreg $0x60  }
0x26: {  	[dreg:$0x2] =	wrdreg s25  }
0x27: {  	[dreg:$0x3] =	wrdreg s2  }
0x28: {  	[dreg:$0x4] =	wrdreg $0x9  }
0x29: {  	_ =	task.clear_ibuf [dreg:s7], $0x5FFFF;
	_ =	strace $0x90000049  }
0x2a: {  	s29 =	simm.s32 $0x9;
	_ =	strace $0x8000004B  }
0x2b: {  	_ =	swait.ge [sflag:s29], $0x1  }
0x2c: {  	[sflag:s29] =	ssyncadd.s32 $0xFFFFFFFF  }
0x2d: {  	_ =	strace $0x9000004B  }
0x2e: {  	_ =	sfence  }
0x2f: {  	s30 =	sld [smem:$0x0];
	_ =	sdelay $0x2  }
0x30: {  	s31 =	sshll.u32 s1, $0xD;
	s1 =	sshrl.u32 s1, $0x2  }
0x31: {  	s3 =	sand.u32 $0x4000, s31;
	s1 =	sadd.s32 s1, s30  }
0x32: {  	s0 =	sor.u32 s3, s0;
	s1 =	sshll.u32 s1, $0x11  }
0x33: {  	s0 =	sor.u32 s1, s0  }
0x34: {  	s0 =	sadd.s32 $0x8F2B, s0  }
0x35: {  	[sflag:s0] =	ssyncadd.remote.s32 $0x1  }
0x36: {  	_ =	sfence.sel $0xFFFF  }
0x37: {  	[dreg:$0x0] =	wrdreg $0xFFFFFFFF;
	(pc) =	sbr.abs _section_cstart, $3  }
0x38: {  	[dreg:$0x1] =	wrdreg $0xFFFFFFFF  }
0x39: {  	_ =	task.clear_ibuf [dreg:s7], $0x2FFFF;
	_ =	strace $0x9FFFFFFF  }
0x3a: {  	(tm) =	ssettm $0x7FFFFFFF  }
0x3b: {  	_ =	shalt  }
tec
execute0_lowered:
.L_overlay_start_1:
0x0: {  	(tag) =	ssettag $0x1  }
0x1: {  	s0 =	srdreg.scid  }
0x2: {  	s1 =	sshll.u32 s0, $0x4  }
0x3: {  	s0 =	stileid.u32;
	s1 =	sand.u32 $0x10, s1  }
0x4: {  	s1 =	sor.u32 s0, s1  }
0x5: {  	s6 =	rddreg [dreg:$0x0];
	s4 =	simm.s32 $0x1;
	s2 =	sshll.u32 s1, $0x7  }
0x6: {  	s7 =	simm.s32 $0x2;
	s12 =	simm.s32 $0x0;
	s1 =	ssub.s32 $0x1000, s2  }
0x7: {  	s8 =	simm.s32 $0x8000;
	s13 =	simm.s32 $0x0;
	s3 =	sand.u32 $0xF80, s1  }
0x8: {  	s9 =	simm.s32 $0x0;
	s5 =	sshrl.u32 s1, $0xC;
	p0 =	sne.s32 s3, $0x0  }
.Ltmp0:
0x9: {  	s1 =	rddreg [dreg:$0x2];
	s4 =	simm.s32 @!p0 $0x0;
	(pc) =	sbr.rel .LBB1_1-.Ltmp0, $4  }
0xa: {  	s11 =	simm.s32 $0x0;
	s3 =	rddreg [dreg:$0x1];
	s5 =	sadd.s32 s4, s5  }
0xb: {  	_ =	strace $0x8000004A;
	s4 =	simm.s32 $0x1;
	s5 =	smul.u32 $0x208, s5  }
0xc: {  	s6 =	sadd.s32 $0xA00, s6;
	s10 =	smov.u32 s2;
	[sflag:s4] =	ssyncpa.u1 $0x0  }
0xd: {  	p0 =	por $0x0, $0x0;
	[sflag:s7] =	ssyncpa.u1 $0x0;
	s7 =	sor.u32 $0x1, s5  }
.LBB1_4:
0xe: {  	s16 =	sshll.u32 s13, $0x3;
	s17 =	sand.u32 $0x78, s13  }
0xf: {  	s30 =	sand.u32 $0x3E00, s13;
	s12 =	sshll.u32 s12, $0xE;
	s16 =	sand.u32 $0xC00, s16  }
0x10: {  	s31 =	sand.u32 $0x7, s13;
	s16 =	sor.u32 s17, s16;
	s17 =	sadd.s32 s3, s30  }
0x11: {  	s13 =	sshll.u32 s31, $0x12;
	s16 =	sshrl.u32 s16, $0x3;
	s12 =	sadd.s32 s12, s17  }
0x12: {  	[tilespmem:s15+$0x0 ss:$0x81] =	vst.msk $0xffff, v0;
	s13 =	sor.u32 $0x400, s13;
	s12 =	sadd.s32 s16, s12  }
0x13: {  	[hbm4b:s12+s13] =	stream.strided.scatter [tilespmem:s14], [sflag:$0x2], $0x1000, s8, s13, $0x20;
	[tilespmem:$0x4040] =	vst v63  }
.LBB1_5:
0x14: {  	s14 =	sadd.s32 $0x1, s9  }
0x15: {  	s12 =	sadd.s32 $0x1000, s10;
	s16 =	smov.u32 s10;
	p2 =	sgt.s32 s14, $0x207  }
0x16: {  	s16 =	smov.u32 @p2 s12  }
0x17: {  	s14 =	simm.s32 @p2 $0x0;
	p2 =	sgt.s32 s16, $0xFFF  }
0x18: {  	s16 =	smov.u32 @p2 s2;
	p2 =	sne.s32 s11, s7  }
.Ltmp1:
0x19: {  	p1 =	slt.u32 s11, $0x2;
	(pc) =	sbr.rel @!p2 .LBB1_6-.Ltmp1, $4  }
0x1a: {  	s15 =	simm.s32 @!p1 $0x2  }
0x1b: {  	s13 =	smov.u32 s10;
	p0 =	por !p0, !p0;
	_ =	swait.ge @!p1 [sflag:s15], $0x1000  }
0x1c: {  	s12 =	smov.u32 s9;
	[sflag:s15] =	ssyncset.done @!p1 $0x0;
	s9 =	smov.u32 s14  }
0x1d: {  	s11 =	sadd.s32 $0x1, s11;
	[sflag:s15] =	ssyncadd.s32 @!p1 $0xFFFFF000;
	s10 =	smov.u32 s16  }
.LBB1_1:
0x1e: {  	p1 =	sge.u32 s11, s5  }
0x1f: {  	s14 =	sand.u32 @!p1 $0x1FFFFFF, s9  }
0x20: {  	s15 =	smulhi.u32 @!p1 $0xFC0FC1, s14;
	_ =	sdelay $0x1  }
0x21: {  	s15 =	sshrl.u32 @!p1 s15, $0x1  }
0x22: {  	s15 =	smul.u32 @!p1 $0x208, s15  }
0x23: {  	s16 =	sxor.u32 @!p1 $0xFFFFFFFF, s11;
	s17 =	smul.u32 @!p1 $0x2080, s10  }
0x24: {  	s31 =	sadd.s32 $0xFFFFFFFF, s11;
	s16 =	sshll.u32 @!p1 s16, $0xC;
	s14 =	ssub.s32 @!p1 s14, s15  }
0x25: {  	s15 =	sand.u32 @!p1 $0x1000, s16;
	s16 =	sadd.s32 @!p1 s6, s17;
	s14 =	sshll.u32 @!p1 s14, $0x4  }
0x26: {  	s17 =	simm.s32 @!p1 $0x10400;
	s14 =	sadd.s32 @!p1 s14, s16;
	s16 =	simm.s32 @!p1 $0x20  }
0x27: {  	[tilespmem:s15], [sflag:$0x1] =	stream.strided.gather @!p1 [hbm4b:s14+s16], $0x1000, s17, s16, $0x38;
	[tilespmem:$0x4040] =	vst v63  }
0x28: {  	p1 =	sge.u32 s31, s5  }
.Ltmp2:
0x29: {  	_ = 	snop;
	(pc) =	sbr.rel @p1 .LBB1_5-.Ltmp2, $1  }
0x2a: {  	_ =	sdelay $0x3  }
0x2b: {  	s14 =	simm.s32 $0x1  }
0x2c: {  	_ =	swait.ge [sflag:s4], $0x1000;
	s14 =	simm.s32 @!p0 $0x0  }
0x2d: {  	[sflag:s4] =	ssyncset.done $0x0;
	s15 =	sshll.u32 s14, $0xC  }
0x2e: {  	[sflag:s4] =	ssyncadd.s32 $0xFFFFF000;
	s18 =	sor.u32 $0x10, s15  }
0x2f: {  	s14 =	smul.u32 $0x4080, s14;
	v1 =	vld [tilespmem:s18+$0x0]  }
0x30: {  	s30 =	sand.u32 $0x1, s11;
	v0 =	vld [tilespmem:s18+$0xFFFFFFF0]  }
0x31: {  	s15 =	smul.u32 $0x4080, s30;
	s14 =	sshrl.u32 s14, $0x2  }
0x32: {  	s16 =	sor.u32 $0x2000, s14  }
0x33: {  	s31 =	sshrl.u32 s15, $0x2;
	s15 =	sadd.s32 $0x0, s16  }
0x34: {  	s17 =	simm.s32 $0x4;
	s18 =	sadd.s32 $0x20, s18;
	s14 =	sor.u32 $0x2000, s31;
	[tilespmem:s15+$0x810 ss:$0x81] =	vst.msk $0xffff, v1  }
.LBB1_3:
0x35: {  	v1 =	vld [tilespmem:s18+$0x0];
	p1 =	sne.s32 s17, $0x1FC;
	[tilespmem:s15+$0x0 ss:$0x81] =	vst.msk $0xffff, v0;
	s15 =	smov.u32 s17;
	s17 =	sadd.s32 $0x4, s17  }
.Ltmp3:
0x36: {  	v0 =	vld [tilespmem:s18+$0xFFFFFFF0];
	(pc) =	sbr.rel @p1 .LBB1_3-.Ltmp3, $4  }
0x37: {  	_ = 	snop  }
0x38: {  	s15 =	sshra.s32 s15, $0x2  }
0x39: {  	s15 =	sadd.s32 s15, s16  }
0x3a: {  	s18 =	sadd.s32 $0x20, s18;
	[tilespmem:s15+$0x810 ss:$0x81] =	vst.msk $0xffff, v1  }
.Ltmp4:
0x3b: {  	_ = 	snop;
	(pc) =	sbr.rel .LBB1_4-.Ltmp4, $1  }
0x3c: {  	_ =	sdelay $0x3  }
.LBB1_6:
0x3d: {  	_ =	sfence.sel $0x180000  }
0x3e: {  	s2 =	simm.s32 $0x1;
	[bflag:$0x0] =	sbarrier.arrive $0xFFFF  }
0x3f: {  	s31 =	simm.s32 $0x2;
	[sflag:s2] =	ssyncpa.u1 $0x1  }
0x40: {  	[sflag:s31] =	ssyncpa.u1 $0x1  }
0x41: {  	p0 =	sne.s32 s0, $0x0;
	_ =	strace $0x9000004A  }
0x42: {  	s0 =	sadd.s32 @!p0 $0x100000, s1;
	[bflag:$0x2] =	sbarrier.arrive $0xFFFF  }
0x43: {  	[sflag:s0] =	ssyncadd.tile.s32 @!p0 $0x1;
	_ =	shalt  }
.Lfunc_end1:
_tile_overlayer_lowered:
.L_overlay_start_2:
0x44: {  	(tag) =	ssettag $0x2  }
0x45: {  	s0 =	rddreg [dreg:$0x0];
	s2 =	stileid.u32  }
0x46: {  	s1 =	rddreg [dreg:$0x1];
	p0 =	sne.s32 s2, $0x0  }
0x47: {  	s3 =	rddreg [dreg:$0x2];
	[bflag:$0x3] =	sbarrier.arrive $0xFFFF;
	s2 =	simm.s32 @!p0 $0x1C01  }
0x48: {  	[timem:s3], [sflag:s2] =	dma.local @!p0 [hbm:s0], s1  }
0x49: {  	s0 =	simm.s32 @!p0 $0x1  }
0x4a: {  	_ =	swait.ge @!p0 [sflag:s0], s1  }
0x4b: {  	s1 =	ssub.s32 @!p0 $0x0, s1;
	[sflag:s0] =	ssyncset.done @!p0 $0x0  }
0x4c: {  	[sflag:s0] =	ssyncadd.s32 @!p0 s1  }
0x4d: {  	[bflag:$0x3] =	sbarrier.arrive $0xFFFF  }
0x4e: {  	_ =	shalt  }

</sc_bundles>
